<compile_context>
chip_gen: v7x
topology: tpu7x:2x2x1
jax: 0.10.2.dev20260603
libtpu: 0.0.44.dev20260713+nightly
codegen_flags: <defaults>
</compile_context>

<pallas_src>
import functools

import jax
import jax.numpy as jnp
from jax import lax
from jax.experimental import pallas as pl
from jax.experimental.pallas import tpu as pltpu
from jax.experimental.pallas import tpu_sc as plsc

_NC = 2
_NS = 16
_NW = _NC * _NS

_GL = 128
_KG = 10
_BLK = _GL * _KG


def _make_gather(vocab: int, batch: int, dim: int):
    assert batch % (_NW * 2 * _BLK) == 0
    rows_per_w = batch // _NW
    irows_per_w = rows_per_w // _GL
    npair = rows_per_w // (2 * _BLK)

    mesh = plsc.VectorSubcoreMesh(core_axis_name="c", subcore_axis_name="s")

    @functools.partial(
        pl.kernel,
        out_type=jax.ShapeDtypeStruct((batch, dim), jnp.float32),
        mesh=mesh,
        scratch_types=[
            pltpu.VMEM((irows_per_w, _GL), jnp.int32),
            pltpu.VMEM((_BLK, dim), jnp.float32),
            pltpu.VMEM((_BLK, dim), jnp.float32),
            pltpu.SemaphoreType.DMA,
            pltpu.SemaphoreType.DMA,
            pltpu.SemaphoreType.DMA,
            pltpu.SemaphoreType.DMA,
        ],
        compiler_params=pltpu.CompilerParams(use_tc_tiling_on_sc=False),
    )
    def gather_kernel(table_hbm, idx_hbm, out_hbm, idx_v, buf0, buf1,
                      gsem0, gsem1, wsem0, wsem1):
        wid = lax.axis_index("s") * _NC + lax.axis_index("c")
        row0 = wid * rows_per_w
        pltpu.sync_copy(idx_hbm.at[pl.ds(wid * irows_per_w, irows_per_w)], idx_v)

        def fire_gather(blk, buf, sem):
            for j in range(_KG):
                pltpu.async_copy(
                    table_hbm.at[idx_v.at[blk * _KG + j]],
                    buf.at[pl.ds(j * _GL, _GL)],
                    sem,
                )

        def drain_gather(buf, sem):
            pltpu.make_async_copy(table_hbm.at[pl.ds(0, _BLK)], buf, sem).wait()

        def fire_write(blk, buf, sem):
            pltpu.async_copy(buf, out_hbm.at[pl.ds(row0 + blk * _BLK, _BLK)], sem)

        def drain_write(buf, sem):
            pltpu.make_async_copy(buf, out_hbm.at[pl.ds(0, _BLK)], sem).wait()

        fire_gather(0, buf0, gsem0)

        def step(p, carry):
            @pl.when(p >= 1)
            def _():
                drain_write(buf1, wsem1)
            fire_gather(2 * p + 1, buf1, gsem1)
            drain_gather(buf0, gsem0)
            fire_write(2 * p, buf0, wsem0)

            @pl.when(p <= npair - 2)
            def _():
                drain_write(buf0, wsem0)
                fire_gather(2 * p + 2, buf0, gsem0)
            drain_gather(buf1, gsem1)
            fire_write(2 * p + 1, buf1, wsem1)
            return carry

        lax.fori_loop(0, npair, step, None)
        drain_write(buf0, wsem0)
        drain_write(buf1, wsem1)

    return gather_kernel


def kernel(input, emb_matrix):
    b_sz, h_sz = input.shape
    batch = b_sz * h_sz
    vocab, dim = emb_matrix.shape
    idx = input.reshape(batch // _GL, _GL).astype(jnp.int32)
    flat = _make_gather(vocab, batch, dim)(emb_matrix, idx)
    g128 = jax.lax.optimization_barrier(flat.reshape(batch // 4, dim * 4))
    return g128.reshape(b_sz, h_sz, dim)

# --- scband reference (transcript-rebuilt; emitter-appended) ---
"""Pipeline reference for scband-pretrained-embedding-1941325218375 (READ-ONLY COPY).

The authoritative reference and input builder live on the scoring server;
editing this copy changes nothing except your own understanding.
"""

import jax, jax.numpy as jnp
import numpy as np

VOCAB = 1000000
EMBED_DIM = 32
BATCH = 16384
HIST_LEN = 50


def setup_inputs(seed: int = 0) -> dict:
    key = jax.random.key(seed)
    k_table, k_idx = jax.random.split(key)
    # Pretrained (frozen) embedding table, materialized per init_kwargs [vocab, embed_dim]
    emb_matrix = jax.random.normal(k_table, (VOCAB, EMBED_DIM), dtype=jnp.float32)
    indices = jax.random.randint(k_idx, (BATCH, HIST_LEN), 0, VOCAB, dtype=jnp.int64)
    return {"input": indices, "emb_matrix": emb_matrix}


def reference(input, emb_matrix):
    # nn.Embedding.from_pretrained(...)(input) == row gather from the table
    return jnp.take(emb_matrix, input, axis=0)

if __name__ == "__main__":
    import jax
    _d = setup_inputs()
    print(jax.jit(kernel)(*tuple(_d.values())))

</pallas_src>

<mosaic_0001>
#map = affine_map<(d0, d1) -> (0, 0)>
module attributes {stable_mosaic.version = 14 : i64} {
  func.func @gather_kernel(%arg0: i32, %arg1: i32, %arg2: memref<1000000x32xf32, #tpu.memory_space<hbm>>, %arg3: memref<6400x128xi32, #tpu.memory_space<hbm>>, %arg4: memref<819200x32xf32, #tpu.memory_space<hbm>>, %arg5: memref<200x128xi32, #tpu.memory_space<vmem>>, %arg6: memref<1280x32xf32, #tpu.memory_space<vmem>>, %arg7: memref<1280x32xf32, #tpu.memory_space<vmem>>, %arg8: memref<!tpu.dma_semaphore, #tpu.memory_space<semaphore_mem>>, %arg9: memref<!tpu.dma_semaphore, #tpu.memory_space<semaphore_mem>>, %arg10: memref<!tpu.dma_semaphore, #tpu.memory_space<semaphore_mem>>, %arg11: memref<!tpu.dma_semaphore, #tpu.memory_space<semaphore_mem>>) attributes {dimension_semantics = [#tpu.dimension_semantics<core_parallel>, #tpu.dimension_semantics<subcore_parallel>], iteration_bounds = array<i64: 2, 16>, scalar_prefetch = 0 : i64, scratch_operands = 7 : i64, tpu.core_type = #tpu.core_type<sc_vector_subcore>, window_params = [{transform_indices = #map}, {transform_indices = #map}, {transform_indices = #map}]} {
    %mul3A = arith.constant 2 : i32
    %mul3A_0 = arith.muli %arg1, %mul3A : i32
    %add3A = arith.addi %mul3A_0, %arg0 : i32
    %mul3A_1 = arith.constant 25600 : i32
    %mul3A_2 = arith.muli %add3A, %mul3A_1 : i32
    %mul3A_3 = arith.constant 200 : i32
    %mul3A_4 = arith.muli %add3A, %mul3A_3 : i32
    "tpu.region"() ({
      %run_scoped3A = tpu.sem_alloc : memref<!tpu.dma_semaphore, #tpu.memory_space<semaphore_mem>>
      %dma_start3A_119 = arith.constant 0 : i32
      %dma_start3A_120 = tpu.memref_slice %arg3[%mul3A_4, %dma_start3A_119] : memref<6400x128xi32, #tpu.memory_space<hbm>> -> memref<200x128xi32, #tpu.memory_space<hbm>>
      %dma_start3A_121 = arith.constant 0 : i32
      %dma_start3A_122 = tpu.memref_slice %arg3[%mul3A_4, %dma_start3A_121] : memref<6400x128xi32, #tpu.memory_space<hbm>> -> memref<200x128xi32, #tpu.memory_space<hbm>>
      tpu.enqueue_dma source(%dma_start3A_122 : memref<200x128xi32, #tpu.memory_space<hbm>>) target(%arg5 : memref<200x128xi32, #tpu.memory_space<vmem>>) target_semaphore(%run_scoped3A : memref<!tpu.dma_semaphore, #tpu.memory_space<semaphore_mem>>)
      %dma_wait3A_123 = arith.constant 0 : i32
      %dma_wait3A_124 = tpu.memref_slice %arg3[%mul3A_4, %dma_wait3A_123] : memref<6400x128xi32, #tpu.memory_space<hbm>> -> memref<200x128xi32, #tpu.memory_space<hbm>>
      %dma_wait3A_125 = arith.constant 0 : i32
      %dma_wait3A_126 = tpu.memref_slice %arg3[%mul3A_4, %dma_wait3A_125] : memref<6400x128xi32, #tpu.memory_space<hbm>> -> memref<200x128xi32, #tpu.memory_space<hbm>>
      tpu.wait_dma2 semaphore(%run_scoped3A : memref<!tpu.dma_semaphore, #tpu.memory_space<semaphore_mem>>) src(%dma_wait3A_126 : memref<200x128xi32, #tpu.memory_space<hbm>>) dst(%arg5 : memref<200x128xi32, #tpu.memory_space<vmem>>)
      tpu.yield
    }) : () -> ()
    %dma_start3A = arith.constant 0 : i32
    %dma_start3A_5 = arith.constant 0 : i32
    %dma_start3A_6 = arith.constant 0 : i32
    %dma_start3A_7 = tpu.memref_slice %arg6[%dma_start3A_5, %dma_start3A_6] : memref<1280x32xf32, #tpu.memory_space<vmem>> -> memref<128x32xf32, #tpu.memory_space<vmem>>
    %dma_start3A_8 = arith.constant 0 : i32
    %dma_start3A_9 = tpu.memref_slice %arg5[%dma_start3A, %dma_start3A_8] : memref<200x128xi32, #tpu.memory_space<vmem>> -> memref<1x128xi32, #tpu.memory_space<vmem>>
    %dma_start3A_10 = tpu.memref_squeeze %dma_start3A_9 : memref<1x128xi32, #tpu.memory_space<vmem>> -> memref<128xi32, #tpu.memory_space<vmem>>
    %dma_start3A_11 = arith.constant 0 : i32
    %dma_start3A_12 = arith.constant 0 : i32
    %dma_start3A_13 = tpu.memref_slice %arg2[%dma_start3A_11, %dma_start3A_12] : memref<1000000x32xf32, #tpu.memory_space<hbm>> -> memref<1000000x32xf32, #tpu.memory_space<hbm>>
    tpu.enqueue_indirect_dma source(%dma_start3A_13 : memref<1000000x32xf32, #tpu.memory_space<hbm>>) target(%dma_start3A_7 : memref<128x32xf32, #tpu.memory_space<vmem>>) offsets(%dma_start3A_10 : memref<128xi32, #tpu.memory_space<vmem>>) semaphore(%arg8 : memref<!tpu.dma_semaphore, #tpu.memory_space<semaphore_mem>>)
    %dma_start3A_14 = arith.constant 1 : i32
    %dma_start3A_15 = arith.constant 128 : i32
    %dma_start3A_16 = arith.constant 0 : i32
    %dma_start3A_17 = tpu.memref_slice %arg6[%dma_start3A_15, %dma_start3A_16] : memref<1280x32xf32, #tpu.memory_space<vmem>> -> memref<128x32xf32, #tpu.memory_space<vmem>>
    %dma_start3A_18 = arith.constant 0 : i32
    %dma_start3A_19 = tpu.memref_slice %arg5[%dma_start3A_14, %dma_start3A_18] : memref<200x128xi32, #tpu.memory_space<vmem>> -> memref<1x128xi32, #tpu.memory_space<vmem>>
    %dma_start3A_20 = tpu.memref_squeeze %dma_start3A_19 : memref<1x128xi32, #tpu.memory_space<vmem>> -> memref<128xi32, #tpu.memory_space<vmem>>
    %dma_start3A_21 = arith.constant 0 : i32
    %dma_start3A_22 = arith.constant 0 : i32
    %dma_start3A_23 = tpu.memref_slice %arg2[%dma_start3A_21, %dma_start3A_22] : memref<1000000x32xf32, #tpu.memory_space<hbm>> -> memref<1000000x32xf32, #tpu.memory_space<hbm>>
    tpu.enqueue_indirect_dma source(%dma_start3A_23 : memref<1000000x32xf32, #tpu.memory_space<hbm>>) target(%dma_start3A_17 : memref<128x32xf32, #tpu.memory_space<vmem>>) offsets(%dma_start3A_20 : memref<128xi32, #tpu.memory_space<vmem>>) semaphore(%arg8 : memref<!tpu.dma_semaphore, #tpu.memory_space<semaphore_mem>>)
    %dma_start3A_24 = arith.constant 2 : i32
    %dma_start3A_25 = arith.constant 256 : i32
    %dma_start3A_26 = arith.constant 0 : i32
    %dma_start3A_27 = tpu.memref_slice %arg6[%dma_start3A_25, %dma_start3A_26] : memref<1280x32xf32, #tpu.memory_space<vmem>> -> memref<128x32xf32, #tpu.memory_space<vmem>>
    %dma_start3A_28 = arith.constant 0 : i32
    %dma_start3A_29 = tpu.memref_slice %arg5[%dma_start3A_24, %dma_start3A_28] : memref<200x128xi32, #tpu.memory_space<vmem>> -> memref<1x128xi32, #tpu.memory_space<vmem>>
    %dma_start3A_30 = tpu.memref_squeeze %dma_start3A_29 : memref<1x128xi32, #tpu.memory_space<vmem>> -> memref<128xi32, #tpu.memory_space<vmem>>
    %dma_start3A_31 = arith.constant 0 : i32
    %dma_start3A_32 = arith.constant 0 : i32
    %dma_start3A_33 = tpu.memref_slice %arg2[%dma_start3A_31, %dma_start3A_32] : memref<1000000x32xf32, #tpu.memory_space<hbm>> -> memref<1000000x32xf32, #tpu.memory_space<hbm>>
    tpu.enqueue_indirect_dma source(%dma_start3A_33 : memref<1000000x32xf32, #tpu.memory_space<hbm>>) target(%dma_start3A_27 : memref<128x32xf32, #tpu.memory_space<vmem>>) offsets(%dma_start3A_30 : memref<128xi32, #tpu.memory_space<vmem>>) semaphore(%arg8 : memref<!tpu.dma_semaphore, #tpu.memory_space<semaphore_mem>>)
    %dma_start3A_34 = arith.constant 3 : i32
    %dma_start3A_35 = arith.constant 384 : i32
    %dma_start3A_36 = arith.constant 0 : i32
    %dma_start3A_37 = tpu.memref_slice %arg6[%dma_start3A_35, %dma_start3A_36] : memref<1280x32xf32, #tpu.memory_space<vmem>> -> memref<128x32xf32, #tpu.memory_space<vmem>>
    %dma_start3A_38 = arith.constant 0 : i32
    %dma_start3A_39 = tpu.memref_slice %arg5[%dma_start3A_34, %dma_start3A_38] : memref<200x128xi32, #tpu.memory_space<vmem>> -> memref<1x128xi32, #tpu.memory_space<vmem>>
    %dma_start3A_40 = tpu.memref_squeeze %dma_start3A_39 : memref<1x128xi32, #tpu.memory_space<vmem>> -> memref<128xi32, #tpu.memory_space<vmem>>
    %dma_start3A_41 = arith.constant 0 : i32
    %dma_start3A_42 = arith.constant 0 : i32
    %dma_start3A_43 = tpu.memref_slice %arg2[%dma_start3A_41, %dma_start3A_42] : memref<1000000x32xf32, #tpu.memory_space<hbm>> -> memref<1000000x32xf32, #tpu.memory_space<hbm>>
    tpu.enqueue_indirect_dma source(%dma_start3A_43 : memref<1000000x32xf32, #tpu.memory_space<hbm>>) target(%dma_start3A_37 : memref<128x32xf32, #tpu.memory_space<vmem>>) offsets(%dma_start3A_40 : memref<128xi32, #tpu.memory_space<vmem>>) semaphore(%arg8 : memref<!tpu.dma_semaphore, #tpu.memory_space<semaphore_mem>>)
    %dma_start3A_44 = arith.constant 4 : i32
    %dma_start3A_45 = arith.constant 512 : i32
    %dma_start3A_46 = arith.constant 0 : i32
    %dma_start3A_47 = tpu.memref_slice %arg6[%dma_start3A_45, %dma_start3A_46] : memref<1280x32xf32, #tpu.memory_space<vmem>> -> memref<128x32xf32, #tpu.memory_space<vmem>>
    %dma_start3A_48 = arith.constant 0 : i32
    %dma_start3A_49 = tpu.memref_slice %arg5[%dma_start3A_44, %dma_start3A_48] : memref<200x128xi32, #tpu.memory_space<vmem>> -> memref<1x128xi32, #tpu.memory_space<vmem>>
    %dma_start3A_50 = tpu.memref_squeeze %dma_start3A_49 : memref<1x128xi32, #tpu.memory_space<vmem>> -> memref<128xi32, #tpu.memory_space<vmem>>
    %dma_start3A_51 = arith.constant 0 : i32
    %dma_start3A_52 = arith.constant 0 : i32
    %dma_start3A_53 = tpu.memref_slice %arg2[%dma_start3A_51, %dma_start3A_52] : memref<1000000x32xf32, #tpu.memory_space<hbm>> -> memref<1000000x32xf32, #tpu.memory_space<hbm>>
    tpu.enqueue_indirect_dma source(%dma_start3A_53 : memref<1000000x32xf32, #tpu.memory_space<hbm>>) target(%dma_start3A_47 : memref<128x32xf32, #tpu.memory_space<vmem>>) offsets(%dma_start3A_50 : memref<128xi32, #tpu.memory_space<vmem>>) semaphore(%arg8 : memref<!tpu.dma_semaphore, #tpu.memory_space<semaphore_mem>>)
    %dma_start3A_54 = arith.constant 5 : i32
    %dma_start3A_55 = arith.constant 640 : i32
    %dma_start3A_56 = arith.constant 0 : i32
    %dma_start3A_57 = tpu.memref_slice %arg6[%dma_start3A_55, %dma_start3A_56] : memref<1280x32xf32, #tpu.memory_space<vmem>> -> memref<128x32xf32, #tpu.memory_space<vmem>>
    %dma_start3A_58 = arith.constant 0 : i32
    %dma_start3A_59 = tpu.memref_slice %arg5[%dma_start3A_54, %dma_start3A_58] : memref<200x128xi32, #tpu.memory_space<vmem>> -> memref<1x128xi32, #tpu.memory_space<vmem>>
    %dma_start3A_60 = tpu.memref_squeeze %dma_start3A_59 : memref<1x128xi32, #tpu.memory_space<vmem>> -> memref<128xi32, #tpu.memory_space<vmem>>
    %dma_start3A_61 = arith.constant 0 : i32
    %dma_start3A_62 = arith.constant 0 : i32
    %dma_start3A_63 = tpu.memref_slice %arg2[%dma_start3A_61, %dma_start3A_62] : memref<1000000x32xf32, #tpu.memory_space<hbm>> -> memref<1000000x32xf32, #tpu.memory_space<hbm>>
    tpu.enqueue_indirect_dma source(%dma_start3A_63 : memref<1000000x32xf32, #tpu.memory_space<hbm>>) target(%dma_start3A_57 : memref<128x32xf32, #tpu.memory_space<vmem>>) offsets(%dma_start3A_60 : memref<128xi32, #tpu.memory_space<vmem>>) semaphore(%arg8 : memref<!tpu.dma_semaphore, #tpu.memory_space<semaphore_mem>>)
    %dma_start3A_64 = arith.constant 6 : i32
    %dma_start3A_65 = arith.constant 768 : i32
    %dma_start3A_66 = arith.constant 0 : i32
    %dma_start3A_67 = tpu.memref_slice %arg6[%dma_start3A_65, %dma_start3A_66] : memref<1280x32xf32, #tpu.memory_space<vmem>> -> memref<128x32xf32, #tpu.memory_space<vmem>>
    %dma_start3A_68 = arith.constant 0 : i32
    %dma_start3A_69 = tpu.memref_slice %arg5[%dma_start3A_64, %dma_start3A_68] : memref<200x128xi32, #tpu.memory_space<vmem>> -> memref<1x128xi32, #tpu.memory_space<vmem>>
    %dma_start3A_70 = tpu.memref_squeeze %dma_start3A_69 : memref<1x128xi32, #tpu.memory_space<vmem>> -> memref<128xi32, #tpu.memory_space<vmem>>
    %dma_start3A_71 = arith.constant 0 : i32
    %dma_start3A_72 = arith.constant 0 : i32
    %dma_start3A_73 = tpu.memref_slice %arg2[%dma_start3A_71, %dma_start3A_72] : memref<1000000x32xf32, #tpu.memory_space<hbm>> -> memref<1000000x32xf32, #tpu.memory_space<hbm>>
    tpu.enqueue_indirect_dma source(%dma_start3A_73 : memref<1000000x32xf32, #tpu.memory_space<hbm>>) target(%dma_start3A_67 : memref<128x32xf32, #tpu.memory_space<vmem>>) offsets(%dma_start3A_70 : memref<128xi32, #tpu.memory_space<vmem>>) semaphore(%arg8 : memref<!tpu.dma_semaphore, #tpu.memory_space<semaphore_mem>>)
    %dma_start3A_74 = arith.constant 7 : i32
    %dma_start3A_75 = arith.constant 896 : i32
    %dma_start3A_76 = arith.constant 0 : i32
    %dma_start3A_77 = tpu.memref_slice %arg6[%dma_start3A_75, %dma_start3A_76] : memref<1280x32xf32, #tpu.memory_space<vmem>> -> memref<128x32xf32, #tpu.memory_space<vmem>>
    %dma_start3A_78 = arith.constant 0 : i32
    %dma_start3A_79 = tpu.memref_slice %arg5[%dma_start3A_74, %dma_start3A_78] : memref<200x128xi32, #tpu.memory_space<vmem>> -> memref<1x128xi32, #tpu.memory_space<vmem>>
    %dma_start3A_80 = tpu.memref_squeeze %dma_start3A_79 : memref<1x128xi32, #tpu.memory_space<vmem>> -> memref<128xi32, #tpu.memory_space<vmem>>
    %dma_start3A_81 = arith.constant 0 : i32
    %dma_start3A_82 = arith.constant 0 : i32
    %dma_start3A_83 = tpu.memref_slice %arg2[%dma_start3A_81, %dma_start3A_82] : memref<1000000x32xf32, #tpu.memory_space<hbm>> -> memref<1000000x32xf32, #tpu.memory_space<hbm>>
    tpu.enqueue_indirect_dma source(%dma_start3A_83 : memref<1000000x32xf32, #tpu.memory_space<hbm>>) target(%dma_start3A_77 : memref<128x32xf32, #tpu.memory_space<vmem>>) offsets(%dma_start3A_80 : memref<128xi32, #tpu.memory_space<vmem>>) semaphore(%arg8 : memref<!tpu.dma_semaphore, #tpu.memory_space<semaphore_mem>>)
    %dma_start3A_84 = arith.constant 8 : i32
    %dma_start3A_85 = arith.constant 1024 : i32
    %dma_start3A_86 = arith.constant 0 : i32
    %dma_start3A_87 = tpu.memref_slice %arg6[%dma_start3A_85, %dma_start3A_86] : memref<1280x32xf32, #tpu.memory_space<vmem>> -> memref<128x32xf32, #tpu.memory_space<vmem>>
    %dma_start3A_88 = arith.constant 0 : i32
    %dma_start3A_89 = tpu.memref_slice %arg5[%dma_start3A_84, %dma_start3A_88] : memref<200x128xi32, #tpu.memory_space<vmem>> -> memref<1x128xi32, #tpu.memory_space<vmem>>
    %dma_start3A_90 = tpu.memref_squeeze %dma_start3A_89 : memref<1x128xi32, #tpu.memory_space<vmem>> -> memref<128xi32, #tpu.memory_space<vmem>>
    %dma_start3A_91 = arith.constant 0 : i32
    %dma_start3A_92 = arith.constant 0 : i32
    %dma_start3A_93 = tpu.memref_slice %arg2[%dma_start3A_91, %dma_start3A_92] : memref<1000000x32xf32, #tpu.memory_space<hbm>> -> memref<1000000x32xf32, #tpu.memory_space<hbm>>
    tpu.enqueue_indirect_dma source(%dma_start3A_93 : memref<1000000x32xf32, #tpu.memory_space<hbm>>) target(%dma_start3A_87 : memref<128x32xf32, #tpu.memory_space<vmem>>) offsets(%dma_start3A_90 : memref<128xi32, #tpu.memory_space<vmem>>) semaphore(%arg8 : memref<!tpu.dma_semaphore, #tpu.memory_space<semaphore_mem>>)
    %dma_start3A_94 = arith.constant 9 : i32
    %dma_start3A_95 = arith.constant 1152 : i32
    %dma_start3A_96 = arith.constant 0 : i32
    %dma_start3A_97 = tpu.memref_slice %arg6[%dma_start3A_95, %dma_start3A_96] : memref<1280x32xf32, #tpu.memory_space<vmem>> -> memref<128x32xf32, #tpu.memory_space<vmem>>
    %dma_start3A_98 = arith.constant 0 : i32
    %dma_start3A_99 = tpu.memref_slice %arg5[%dma_start3A_94, %dma_start3A_98] : memref<200x128xi32, #tpu.memory_space<vmem>> -> memref<1x128xi32, #tpu.memory_space<vmem>>
    %dma_start3A_100 = tpu.memref_squeeze %dma_start3A_99 : memref<1x128xi32, #tpu.memory_space<vmem>> -> memref<128xi32, #tpu.memory_space<vmem>>
    %dma_start3A_101 = arith.constant 0 : i32
    %dma_start3A_102 = arith.constant 0 : i32
    %dma_start3A_103 = tpu.memref_slice %arg2[%dma_start3A_101, %dma_start3A_102] : memref<1000000x32xf32, #tpu.memory_space<hbm>> -> memref<1000000x32xf32, #tpu.memory_space<hbm>>
    tpu.enqueue_indirect_dma source(%dma_start3A_103 : memref<1000000x32xf32, #tpu.memory_space<hbm>>) target(%dma_start3A_97 : memref<128x32xf32, #tpu.memory_space<vmem>>) offsets(%dma_start3A_100 : memref<128xi32, #tpu.memory_space<vmem>>) semaphore(%arg8 : memref<!tpu.dma_semaphore, #tpu.memory_space<semaphore_mem>>)
    %scan3A = arith.constant 0 : i32
    %scan3A_104 = arith.constant 10 : i32
    %scan3A_105 = arith.addi %scan3A, %scan3A_104 : i32
    %scan3A_106 = arith.constant 1 : i32
    scf.for %scan3A_119 = %scan3A to %scan3A_105 step %scan3A_106  : i32 {
      %ge3A = arith.constant 1 : i32
      %ge3A_120 = arith.cmpi sge, %scan3A_119, %ge3A : i32
      %convert_element_type3A = arith.extui %ge3A_120 : i1 to i32
      %cond3A = arith.constant 0 : i32
      %cond3A_121 = arith.cmpi ne, %convert_element_type3A, %cond3A : i32
      scf.if %cond3A_121 {
        %dma_wait3A_292 = arith.constant 0 : i32
        %dma_wait3A_293 = arith.constant 0 : i32
        %dma_wait3A_294 = tpu.memref_slice %arg4[%dma_wait3A_292, %dma_wait3A_293] : memref<819200x32xf32, #tpu.memory_space<hbm>> -> memref<1280x32xf32, #tpu.memory_space<hbm>>
        %dma_wait3A_295 = arith.constant 0 : i32
        %dma_wait3A_296 = arith.constant 0 : i32
        %dma_wait3A_297 = tpu.memref_slice %arg4[%dma_wait3A_295, %dma_wait3A_296] : memref<819200x32xf32, #tpu.memory_space<hbm>> -> memref<1280x32xf32, #tpu.memory_space<hbm>>
        tpu.wait_dma2 semaphore(%arg11 : memref<!tpu.dma_semaphore, #tpu.memory_space<semaphore_mem>>) src(%arg7 : memref<1280x32xf32, #tpu.memory_space<vmem>>) dst(%dma_wait3A_297 : memref<1280x32xf32, #tpu.memory_space<hbm>>)
      } else {
      }
      %mul3A_122 = arith.constant 2 : i32
      %mul3A_123 = arith.muli %mul3A_122, %scan3A_119 : i32
      %add3A_124 = arith.constant 1 : i32
      %add3A_125 = arith.addi %mul3A_123, %add3A_124 : i32
      %mul3A_126 = arith.constant 10 : i32
      %mul3A_127 = arith.muli %add3A_125, %mul3A_126 : i32
      %add3A_128 = arith.constant 0 : i32
      %add3A_129 = arith.addi %mul3A_127, %add3A_128 : i32
      %dma_start3A_130 = arith.constant 0 : i32
      %dma_start3A_131 = arith.constant 0 : i32
      %dma_start3A_132 = tpu.memref_slice %arg7[%dma_start3A_130, %dma_start3A_131] : memref<1280x32xf32, #tpu.memory_space<vmem>> -> memref<128x32xf32, #tpu.memory_space<vmem>>
      %dma_start3A_133 = arith.constant 0 : i32
      %dma_start3A_134 = tpu.memref_slice %arg5[%add3A_129, %dma_start3A_133] : memref<200x128xi32, #tpu.memory_space<vmem>> -> memref<1x128xi32, #tpu.memory_space<vmem>>
      %dma_start3A_135 = tpu.memref_squeeze %dma_start3A_134 : memref<1x128xi32, #tpu.memory_space<vmem>> -> memref<128xi32, #tpu.memory_space<vmem>>
      %dma_start3A_136 = arith.constant 0 : i32
      %dma_start3A_137 = arith.constant 0 : i32
      %dma_start3A_138 = tpu.memref_slice %arg2[%dma_start3A_136, %dma_start3A_137] : memref<1000000x32xf32, #tpu.memory_space<hbm>> -> memref<1000000x32xf32, #tpu.memory_space<hbm>>
      tpu.enqueue_indirect_dma source(%dma_start3A_138 : memref<1000000x32xf32, #tpu.memory_space<hbm>>) target(%dma_start3A_132 : memref<128x32xf32, #tpu.memory_space<vmem>>) offsets(%dma_start3A_135 : memref<128xi32, #tpu.memory_space<vmem>>) semaphore(%arg9 : memref<!tpu.dma_semaphore, #tpu.memory_space<semaphore_mem>>)
      %mul3A_139 = arith.constant 10 : i32
      %mul3A_140 = arith.muli %add3A_125, %mul3A_139 : i32
      %add3A_141 = arith.constant 1 : i32
      %add3A_142 = arith.addi %mul3A_140, %add3A_141 : i32
      %dma_start3A_143 = arith.constant 128 : i32
      %dma_start3A_144 = arith.constant 0 : i32
      %dma_start3A_145 = tpu.memref_slice %arg7[%dma_start3A_143, %dma_start3A_144] : memref<1280x32xf32, #tpu.memory_space<vmem>> -> memref<128x32xf32, #tpu.memory_space<vmem>>
      %dma_start3A_146 = arith.constant 0 : i32
      %dma_start3A_147 = tpu.memref_slice %arg5[%add3A_142, %dma_start3A_146] : memref<200x128xi32, #tpu.memory_space<vmem>> -> memref<1x128xi32, #tpu.memory_space<vmem>>
      %dma_start3A_148 = tpu.memref_squeeze %dma_start3A_147 : memref<1x128xi32, #tpu.memory_space<vmem>> -> memref<128xi32, #tpu.memory_space<vmem>>
      %dma_start3A_149 = arith.constant 0 : i32
      %dma_start3A_150 = arith.constant 0 : i32
      %dma_start3A_151 = tpu.memref_slice %arg2[%dma_start3A_149, %dma_start3A_150] : memref<1000000x32xf32, #tpu.memory_space<hbm>> -> memref<1000000x32xf32, #tpu.memory_space<hbm>>
      tpu.enqueue_indirect_dma source(%dma_start3A_151 : memref<1000000x32xf32, #tpu.memory_space<hbm>>) target(%dma_start3A_145 : memref<128x32xf32, #tpu.memory_space<vmem>>) offsets(%dma_start3A_148 : memref<128xi32, #tpu.memory_space<vmem>>) semaphore(%arg9 : memref<!tpu.dma_semaphore, #tpu.memory_space<semaphore_mem>>)
      %mul3A_152 = arith.constant 10 : i32
      %mul3A_153 = arith.muli %add3A_125, %mul3A_152 : i32
      %add3A_154 = arith.constant 2 : i32
      %add3A_155 = arith.addi %mul3A_153, %add3A_154 : i32
      %dma_start3A_156 = arith.constant 256 : i32
      %dma_start3A_157 = arith.constant 0 : i32
      %dma_start3A_158 = tpu.memref_slice %arg7[%dma_start3A_156, %dma_start3A_157] : memref<1280x32xf32, #tpu.memory_space<vmem>> -> memref<128x32xf32, #tpu.memory_space<vmem>>
      %dma_start3A_159 = arith.constant 0 : i32
      %dma_start3A_160 = tpu.memref_slice %arg5[%add3A_155, %dma_start3A_159] : memref<200x128xi32, #tpu.memory_space<vmem>> -> memref<1x128xi32, #tpu.memory_space<vmem>>
      %dma_start3A_161 = tpu.memref_squeeze %dma_start3A_160 : memref<1x128xi32, #tpu.memory_space<vmem>> -> memref<128xi32, #tpu.memory_space<vmem>>
      %dma_start3A_162 = arith.constant 0 : i32
      %dma_start3A_163 = arith.constant 0 : i32
      %dma_start3A_164 = tpu.memref_slice %arg2[%dma_start3A_162, %dma_start3A_163] : memref<1000000x32xf32, #tpu.memory_space<hbm>> -> memref<1000000x32xf32, #tpu.memory_space<hbm>>
      tpu.enqueue_indirect_dma source(%dma_start3A_164 : memref<1000000x32xf32, #tpu.memory_space<hbm>>) target(%dma_start3A_158 : memref<128x32xf32, #tpu.memory_space<vmem>>) offsets(%dma_start3A_161 : memref<128xi32, #tpu.memory_space<vmem>>) semaphore(%arg9 : memref<!tpu.dma_semaphore, #tpu.memory_space<semaphore_mem>>)
      %mul3A_165 = arith.constant 10 : i32
      %mul3A_166 = arith.muli %add3A_125, %mul3A_165 : i32
      %add3A_167 = arith.constant 3 : i32
      %add3A_168 = arith.addi %mul3A_166, %add3A_167 : i32
      %dma_start3A_169 = arith.constant 384 : i32
      %dma_start3A_170 = arith.constant 0 : i32
      %dma_start3A_171 = tpu.memref_slice %arg7[%dma_start3A_169, %dma_start3A_170] : memref<1280x32xf32, #tpu.memory_space<vmem>> -> memref<128x32xf32, #tpu.memory_space<vmem>>
      %dma_start3A_172 = arith.constant 0 : i32
      %dma_start3A_173 = tpu.memref_slice %arg5[%add3A_168, %dma_start3A_172] : memref<200x128xi32, #tpu.memory_space<vmem>> -> memref<1x128xi32, #tpu.memory_space<vmem>>
      %dma_start3A_174 = tpu.memref_squeeze %dma_start3A_173 : memref<1x128xi32, #tpu.memory_space<vmem>> -> memref<128xi32, #tpu.memory_space<vmem>>
      %dma_start3A_175 = arith.constant 0 : i32
      %dma_start3A_176 = arith.constant 0 : i32
      %dma_start3A_177 = tpu.memref_slice %arg2[%dma_start3A_175, %dma_start3A_176] : memref<1000000x32xf32, #tpu.memory_space<hbm>> -> memref<1000000x32xf32, #tpu.memory_space<hbm>>
      tpu.enqueue_indirect_dma source(%dma_start3A_177 : memref<1000000x32xf32, #tpu.memory_space<hbm>>) target(%dma_start3A_171 : memref<128x32xf32, #tpu.memory_space<vmem>>) offsets(%dma_start3A_174 : memref<128xi32, #tpu.memory_space<vmem>>) semaphore(%arg9 : memref<!tpu.dma_semaphore, #tpu.memory_space<semaphore_mem>>)
      %mul3A_178 = arith.constant 10 : i32
      %mul3A_179 = arith.muli %add3A_125, %mul3A_178 : i32
      %add3A_180 = arith.constant 4 : i32
      %add3A_181 = arith.addi %mul3A_179, %add3A_180 : i32
      %dma_start3A_182 = arith.constant 512 : i32
      %dma_start3A_183 = arith.constant 0 : i32
      %dma_start3A_184 = tpu.memref_slice %arg7[%dma_start3A_182, %dma_start3A_183] : memref<1280x32xf32, #tpu.memory_space<vmem>> -> memref<128x32xf32, #tpu.memory_space<vmem>>
      %dma_start3A_185 = arith.constant 0 : i32
      %dma_start3A_186 = tpu.memref_slice %arg5[%add3A_181, %dma_start3A_185] : memref<200x128xi32, #tpu.memory_space<vmem>> -> memref<1x128xi32, #tpu.memory_space<vmem>>
      %dma_start3A_187 = tpu.memref_squeeze %dma_start3A_186 : memref<1x128xi32, #tpu.memory_space<vmem>> -> memref<128xi32, #tpu.memory_space<vmem>>
      %dma_start3A_188 = arith.constant 0 : i32
      %dma_start3A_189 = arith.constant 0 : i32
      %dma_start3A_190 = tpu.memref_slice %arg2[%dma_start3A_188, %dma_start3A_189] : memref<1000000x32xf32, #tpu.memory_space<hbm>> -> memref<1000000x32xf32, #tpu.memory_space<hbm>>
      tpu.enqueue_indirect_dma source(%dma_start3A_190 : memref<1000000x32xf32, #tpu.memory_space<hbm>>) target(%dma_start3A_184 : memref<128x32xf32, #tpu.memory_space<vmem>>) offsets(%dma_start3A_187 : memref<128xi32, #tpu.memory_space<vmem>>) semaphore(%arg9 : memref<!tpu.dma_semaphore, #tpu.memory_space<semaphore_mem>>)
      %mul3A_191 = arith.constant 10 : i32
      %mul3A_192 = arith.muli %add3A_125, %mul3A_191 : i32
      %add3A_193 = arith.constant 5 : i32
      %add3A_194 = arith.addi %mul3A_192, %add3A_193 : i32
      %dma_start3A_195 = arith.constant 640 : i32
      %dma_start3A_196 = arith.constant 0 : i32
      %dma_start3A_197 = tpu.memref_slice %arg7[%dma_start3A_195, %dma_start3A_196] : memref<1280x32xf32, #tpu.memory_space<vmem>> -> memref<128x32xf32, #tpu.memory_space<vmem>>
      %dma_start3A_198 = arith.constant 0 : i32
      %dma_start3A_199 = tpu.memref_slice %arg5[%add3A_194, %dma_start3A_198] : memref<200x128xi32, #tpu.memory_space<vmem>> -> memref<1x128xi32, #tpu.memory_space<vmem>>
      %dma_start3A_200 = tpu.memref_squeeze %dma_start3A_199 : memref<1x128xi32, #tpu.memory_space<vmem>> -> memref<128xi32, #tpu.memory_space<vmem>>
      %dma_start3A_201 = arith.constant 0 : i32
      %dma_start3A_202 = arith.constant 0 : i32
      %dma_start3A_203 = tpu.memref_slice %arg2[%dma_start3A_201, %dma_start3A_202] : memref<1000000x32xf32, #tpu.memory_space<hbm>> -> memref<1000000x32xf32, #tpu.memory_space<hbm>>
      tpu.enqueue_indirect_dma source(%dma_start3A_203 : memref<1000000x32xf32, #tpu.memory_space<hbm>>) target(%dma_start3A_197 : memref<128x32xf32, #tpu.memory_space<vmem>>) offsets(%dma_start3A_200 : memref<128xi32, #tpu.memory_space<vmem>>) semaphore(%arg9 : memref<!tpu.dma_semaphore, #tpu.memory_space<semaphore_mem>>)
      %mul3A_204 = arith.constant 10 : i32
      %mul3A_205 = arith.muli %add3A_125, %mul3A_204 : i32
      %add3A_206 = arith.constant 6 : i32
      %add3A_207 = arith.addi %mul3A_205, %add3A_206 : i32
      %dma_start3A_208 = arith.constant 768 : i32
      %dma_start3A_209 = arith.constant 0 : i32
      %dma_start3A_210 = tpu.memref_slice %arg7[%dma_start3A_208, %dma_start3A_209] : memref<1280x32xf32, #tpu.memory_space<vmem>> -> memref<128x32xf32, #tpu.memory_space<vmem>>
      %dma_start3A_211 = arith.constant 0 : i32
      %dma_start3A_212 = tpu.memref_slice %arg5[%add3A_207, %dma_start3A_211] : memref<200x128xi32, #tpu.memory_space<vmem>> -> memref<1x128xi32, #tpu.memory_space<vmem>>
      %dma_start3A_213 = tpu.memref_squeeze %dma_start3A_212 : memref<1x128xi32, #tpu.memory_space<vmem>> -> memref<128xi32, #tpu.memory_space<vmem>>
      %dma_start3A_214 = arith.constant 0 : i32
      %dma_start3A_215 = arith.constant 0 : i32
      %dma_start3A_216 = tpu.memref_slice %arg2[%dma_start3A_214, %dma_start3A_215] : memref<1000000x32xf32, #tpu.memory_space<hbm>> -> memref<1000000x32xf32, #tpu.memory_space<hbm>>
      tpu.enqueue_indirect_dma source(%dma_start3A_216 : memref<1000000x32xf32, #tpu.memory_space<hbm>>) target(%dma_start3A_210 : memref<128x32xf32, #tpu.memory_space<vmem>>) offsets(%dma_start3A_213 : memref<128xi32, #tpu.memory_space<vmem>>) semaphore(%arg9 : memref<!tpu.dma_semaphore, #tpu.memory_space<semaphore_mem>>)
      %mul3A_217 = arith.constant 10 : i32
      %mul3A_218 = arith.muli %add3A_125, %mul3A_217 : i32
      %add3A_219 = arith.constant 7 : i32
      %add3A_220 = arith.addi %mul3A_218, %add3A_219 : i32
      %dma_start3A_221 = arith.constant 896 : i32
      %dma_start3A_222 = arith.constant 0 : i32
      %dma_start3A_223 = tpu.memref_slice %arg7[%dma_start3A_221, %dma_start3A_222] : memref<1280x32xf32, #tpu.memory_space<vmem>> -> memref<128x32xf32, #tpu.memory_space<vmem>>
      %dma_start3A_224 = arith.constant 0 : i32
      %dma_start3A_225 = tpu.memref_slice %arg5[%add3A_220, %dma_start3A_224] : memref<200x128xi32, #tpu.memory_space<vmem>> -> memref<1x128xi32, #tpu.memory_space<vmem>>
      %dma_start3A_226 = tpu.memref_squeeze %dma_start3A_225 : memref<1x128xi32, #tpu.memory_space<vmem>> -> memref<128xi32, #tpu.memory_space<vmem>>
      %dma_start3A_227 = arith.constant 0 : i32
      %dma_start3A_228 = arith.constant 0 : i32
      %dma_start3A_229 = tpu.memref_slice %arg2[%dma_start3A_227, %dma_start3A_228] : memref<1000000x32xf32, #tpu.memory_space<hbm>> -> memref<1000000x32xf32, #tpu.memory_space<hbm>>
      tpu.enqueue_indirect_dma source(%dma_start3A_229 : memref<1000000x32xf32, #tpu.memory_space<hbm>>) target(%dma_start3A_223 : memref<128x32xf32, #tpu.memory_space<vmem>>) offsets(%dma_start3A_226 : memref<128xi32, #tpu.memory_space<vmem>>) semaphore(%arg9 : memref<!tpu.dma_semaphore, #tpu.memory_space<semaphore_mem>>)
      %mul3A_230 = arith.constant 10 : i32
      %mul3A_231 = arith.muli %add3A_125, %mul3A_230 : i32
      %add3A_232 = arith.constant 8 : i32
      %add3A_233 = arith.addi %mul3A_231, %add3A_232 : i32
      %dma_start3A_234 = arith.constant 1024 : i32
      %dma_start3A_235 = arith.constant 0 : i32
      %dma_start3A_236 = tpu.memref_slice %arg7[%dma_start3A_234, %dma_start3A_235] : memref<1280x32xf32, #tpu.memory_space<vmem>> -> memref<128x32xf32, #tpu.memory_space<vmem>>
      %dma_start3A_237 = arith.constant 0 : i32
      %dma_start3A_238 = tpu.memref_slice %arg5[%add3A_233, %dma_start3A_237] : memref<200x128xi32, #tpu.memory_space<vmem>> -> memref<1x128xi32, #tpu.memory_space<vmem>>
      %dma_start3A_239 = tpu.memref_squeeze %dma_start3A_238 : memref<1x128xi32, #tpu.memory_space<vmem>> -> memref<128xi32, #tpu.memory_space<vmem>>
      %dma_start3A_240 = arith.constant 0 : i32
      %dma_start3A_241 = arith.constant 0 : i32
      %dma_start3A_242 = tpu.memref_slice %arg2[%dma_start3A_240, %dma_start3A_241] : memref<1000000x32xf32, #tpu.memory_space<hbm>> -> memref<1000000x32xf32, #tpu.memory_space<hbm>>
      tpu.enqueue_indirect_dma source(%dma_start3A_242 : memref<1000000x32xf32, #tpu.memory_space<hbm>>) target(%dma_start3A_236 : memref<128x32xf32, #tpu.memory_space<vmem>>) offsets(%dma_start3A_239 : memref<128xi32, #tpu.memory_space<vmem>>) semaphore(%arg9 : memref<!tpu.dma_semaphore, #tpu.memory_space<semaphore_mem>>)
      %mul3A_243 = arith.constant 10 : i32
      %mul3A_244 = arith.muli %add3A_125, %mul3A_243 : i32
      %add3A_245 = arith.constant 9 : i32
      %add3A_246 = arith.addi %mul3A_244, %add3A_245 : i32
      %dma_start3A_247 = arith.constant 1152 : i32
      %dma_start3A_248 = arith.constant 0 : i32
      %dma_start3A_249 = tpu.memref_slice %arg7[%dma_start3A_247, %dma_start3A_248] : memref<1280x32xf32, #tpu.memory_space<vmem>> -> memref<128x32xf32, #tpu.memory_space<vmem>>
      %dma_start3A_250 = arith.constant 0 : i32
      %dma_start3A_251 = tpu.memref_slice %arg5[%add3A_246, %dma_start3A_250] : memref<200x128xi32, #tpu.memory_space<vmem>> -> memref<1x128xi32, #tpu.memory_space<vmem>>
      %dma_start3A_252 = tpu.memref_squeeze %dma_start3A_251 : memref<1x128xi32, #tpu.memory_space<vmem>> -> memref<128xi32, #tpu.memory_space<vmem>>
      %dma_start3A_253 = arith.constant 0 : i32
      %dma_start3A_254 = arith.constant 0 : i32
      %dma_start3A_255 = tpu.memref_slice %arg2[%dma_start3A_253, %dma_start3A_254] : memref<1000000x32xf32, #tpu.memory_space<hbm>> -> memref<1000000x32xf32, #tpu.memory_space<hbm>>
      tpu.enqueue_indirect_dma source(%dma_start3A_255 : memref<1000000x32xf32, #tpu.memory_space<hbm>>) target(%dma_start3A_249 : memref<128x32xf32, #tpu.memory_space<vmem>>) offsets(%dma_start3A_252 : memref<128xi32, #tpu.memory_space<vmem>>) semaphore(%arg9 : memref<!tpu.dma_semaphore, #tpu.memory_space<semaphore_mem>>)
      %dma_wait3A_256 = arith.constant 0 : i32
      %dma_wait3A_257 = arith.constant 0 : i32
      %dma_wait3A_258 = tpu.memref_slice %arg2[%dma_wait3A_256, %dma_wait3A_257] : memref<1000000x32xf32, #tpu.memory_space<hbm>> -> memref<1280x32xf32, #tpu.memory_space<hbm>>
      %dma_wait3A_259 = arith.constant 0 : i32
      %dma_wait3A_260 = arith.constant 0 : i32
      %dma_wait3A_261 = tpu.memref_slice %arg2[%dma_wait3A_259, %dma_wait3A_260] : memref<1000000x32xf32, #tpu.memory_space<hbm>> -> memref<1280x32xf32, #tpu.memory_space<hbm>>
      tpu.wait_dma2 semaphore(%arg8 : memref<!tpu.dma_semaphore, #tpu.memory_space<semaphore_mem>>) src(%dma_wait3A_261 : memref<1280x32xf32, #tpu.memory_space<hbm>>) dst(%arg6 : memref<1280x32xf32, #tpu.memory_space<vmem>>)
      %mul3A_262 = arith.constant 2 : i32
      %mul3A_263 = arith.muli %mul3A_262, %scan3A_119 : i32
      %mul3A_264 = arith.constant 1280 : i32
      %mul3A_265 = arith.muli %mul3A_263, %mul3A_264 : i32
      %add3A_266 = arith.addi %mul3A_2, %mul3A_265 : i32
      %dma_start3A_267 = arith.constant 0 : i32
      %dma_start3A_268 = tpu.memref_slice %arg4[%add3A_266, %dma_start3A_267] : memref<819200x32xf32, #tpu.memory_space<hbm>> -> memref<1280x32xf32, #tpu.memory_space<hbm>>
      %dma_start3A_269 = arith.constant 0 : i32
      %dma_start3A_270 = tpu.memref_slice %arg4[%add3A_266, %dma_start3A_269] : memref<819200x32xf32, #tpu.memory_space<hbm>> -> memref<1280x32xf32, #tpu.memory_space<hbm>>
      tpu.enqueue_dma source(%arg6 : memref<1280x32xf32, #tpu.memory_space<vmem>>) target(%dma_start3A_270 : memref<1280x32xf32, #tpu.memory_space<hbm>>) target_semaphore(%arg10 : memref<!tpu.dma_semaphore, #tpu.memory_space<semaphore_mem>>)
      %le3A = arith.constant 8 : i32
      %le3A_271 = arith.cmpi sle, %scan3A_119, %le3A : i32
      %convert_element_type3A_272 = arith.extui %le3A_271 : i1 to i32
      %cond3A_273 = arith.constant 0 : i32
      %cond3A_274 = arith.cmpi ne, %convert_element_type3A_272, %cond3A_273 : i32
      scf.if %cond3A_274 {
        %dma_wait3A_292 = arith.constant 0 : i32
        %dma_wait3A_293 = arith.constant 0 : i32
        %dma_wait3A_294 = tpu.memref_slice %arg4[%dma_wait3A_292, %dma_wait3A_293] : memref<819200x32xf32, #tpu.memory_space<hbm>> -> memref<1280x32xf32, #tpu.memory_space<hbm>>
        %dma_wait3A_295 = arith.constant 0 : i32
        %dma_wait3A_296 = arith.constant 0 : i32
        %dma_wait3A_297 = tpu.memref_slice %arg4[%dma_wait3A_295, %dma_wait3A_296] : memref<819200x32xf32, #tpu.memory_space<hbm>> -> memref<1280x32xf32, #tpu.memory_space<hbm>>
        tpu.wait_dma2 semaphore(%arg10 : memref<!tpu.dma_semaphore, #tpu.memory_space<semaphore_mem>>) src(%arg6 : memref<1280x32xf32, #tpu.memory_space<vmem>>) dst(%dma_wait3A_297 : memref<1280x32xf32, #tpu.memory_space<hbm>>)
        %mul3A_298 = arith.constant 2 : i32
        %mul3A_299 = arith.muli %mul3A_298, %scan3A_119 : i32
        %add3A_300 = arith.constant 2 : i32
        %add3A_301 = arith.addi %mul3A_299, %add3A_300 : i32
        %mul3A_302 = arith.constant 10 : i32
        %mul3A_303 = arith.muli %add3A_301, %mul3A_302 : i32
        %add3A_304 = arith.constant 0 : i32
        %add3A_305 = arith.addi %mul3A_303, %add3A_304 : i32
        %dma_start3A_306 = arith.constant 0 : i32
        %dma_start3A_307 = arith.constant 0 : i32
        %dma_start3A_308 = tpu.memref_slice %arg6[%dma_start3A_306, %dma_start3A_307] : memref<1280x32xf32, #tpu.memory_space<vmem>> -> memref<128x32xf32, #tpu.memory_space<vmem>>
        %dma_start3A_309 = arith.constant 0 : i32
        %dma_start3A_310 = tpu.memref_slice %arg5[%add3A_305, %dma_start3A_309] : memref<200x128xi32, #tpu.memory_space<vmem>> -> memref<1x128xi32, #tpu.memory_space<vmem>>
        %dma_start3A_311 = tpu.memref_squeeze %dma_start3A_310 : memref<1x128xi32, #tpu.memory_space<vmem>> -> memref<128xi32, #tpu.memory_space<vmem>>
        %dma_start3A_312 = arith.constant 0 : i32
        %dma_start3A_313 = arith.constant 0 : i32
        %dma_start3A_314 = tpu.memref_slice %arg2[%dma_start3A_312, %dma_start3A_313] : memref<1000000x32xf32, #tpu.memory_space<hbm>> -> memref<1000000x32xf32, #tpu.memory_space<hbm>>
        tpu.enqueue_indirect_dma source(%dma_start3A_314 : memref<1000000x32xf32, #tpu.memory_space<hbm>>) target(%dma_start3A_308 : memref<128x32xf32, #tpu.memory_space<vmem>>) offsets(%dma_start3A_311 : memref<128xi32, #tpu.memory_space<vmem>>) semaphore(%arg8 : memref<!tpu.dma_semaphore, #tpu.memory_space<semaphore_mem>>)
        %mul3A_315 = arith.constant 10 : i32
        %mul3A_316 = arith.muli %add3A_301, %mul3A_315 : i32
        %add3A_317 = arith.constant 1 : i32
        %add3A_318 = arith.addi %mul3A_316, %add3A_317 : i32
        %dma_start3A_319 = arith.constant 128 : i32
        %dma_start3A_320 = arith.constant 0 : i32
        %dma_start3A_321 = tpu.memref_slice %arg6[%dma_start3A_319, %dma_start3A_320] : memref<1280x32xf32, #tpu.memory_space<vmem>> -> memref<128x32xf32, #tpu.memory_space<vmem>>
        %dma_start3A_322 = arith.constant 0 : i32
        %dma_start3A_323 = tpu.memref_slice %arg5[%add3A_318, %dma_start3A_322] : memref<200x128xi32, #tpu.memory_space<vmem>> -> memref<1x128xi32, #tpu.memory_space<vmem>>
        %dma_start3A_324 = tpu.memref_squeeze %dma_start3A_323 : memref<1x128xi32, #tpu.memory_space<vmem>> -> memref<128xi32, #tpu.memory_space<vmem>>
        %dma_start3A_325 = arith.constant 0 : i32
        %dma_start3A_326 = arith.constant 0 : i32
        %dma_start3A_327 = tpu.memref_slice %arg2[%dma_start3A_325, %dma_start3A_326] : memref<1000000x32xf32, #tpu.memory_space<hbm>> -> memref<1000000x32xf32, #tpu.memory_space<hbm>>
        tpu.enqueue_indirect_dma source(%dma_start3A_327 : memref<1000000x32xf32, #tpu.memory_space<hbm>>) target(%dma_start3A_321 : memref<128x32xf32, #tpu.memory_space<vmem>>) offsets(%dma_start3A_324 : memref<128xi32, #tpu.memory_space<vmem>>) semaphore(%arg8 : memref<!tpu.dma_semaphore, #tpu.memory_space<semaphore_mem>>)
        %mul3A_328 = arith.constant 10 : i32
        %mul3A_329 = arith.muli %add3A_301, %mul3A_328 : i32
        %add3A_330 = arith.constant 2 : i32
        %add3A_331 = arith.addi %mul3A_329, %add3A_330 : i32
        %dma_start3A_332 = arith.constant 256 : i32
        %dma_start3A_333 = arith.constant 0 : i32
        %dma_start3A_334 = tpu.memref_slice %arg6[%dma_start3A_332, %dma_start3A_333] : memref<1280x32xf32, #tpu.memory_space<vmem>> -> memref<128x32xf32, #tpu.memory_space<vmem>>
        %dma_start3A_335 = arith.constant 0 : i32
        %dma_start3A_336 = tpu.memref_slice %arg5[%add3A_331, %dma_start3A_335] : memref<200x128xi32, #tpu.memory_space<vmem>> -> memref<1x128xi32, #tpu.memory_space<vmem>>
        %dma_start3A_337 = tpu.memref_squeeze %dma_start3A_336 : memref<1x128xi32, #tpu.memory_space<vmem>> -> memref<128xi32, #tpu.memory_space<vmem>>
        %dma_start3A_338 = arith.constant 0 : i32
        %dma_start3A_339 = arith.constant 0 : i32
        %dma_start3A_340 = tpu.memref_slice %arg2[%dma_start3A_338, %dma_start3A_339] : memref<1000000x32xf32, #tpu.memory_space<hbm>> -> memref<1000000x32xf32, #tpu.memory_space<hbm>>
        tpu.enqueue_indirect_dma source(%dma_start3A_340 : memref<1000000x32xf32, #tpu.memory_space<hbm>>) target(%dma_start3A_334 : memref<128x32xf32, #tpu.memory_space<vmem>>) offsets(%dma_start3A_337 : memref<128xi32, #tpu.memory_space<vmem>>) semaphore(%arg8 : memref<!tpu.dma_semaphore, #tpu.memory_space<semaphore_mem>>)
        %mul3A_341 = arith.constant 10 : i32
        %mul3A_342 = arith.muli %add3A_301, %mul3A_341 : i32
        %add3A_343 = arith.constant 3 : i32
        %add3A_344 = arith.addi %mul3A_342, %add3A_343 : i32
        %dma_start3A_345 = arith.constant 384 : i32
        %dma_start3A_346 = arith.constant 0 : i32
        %dma_start3A_347 = tpu.memref_slice %arg6[%dma_start3A_345, %dma_start3A_346] : memref<1280x32xf32, #tpu.memory_space<vmem>> -> memref<128x32xf32, #tpu.memory_space<vmem>>
        %dma_start3A_348 = arith.constant 0 : i32
        %dma_start3A_349 = tpu.memref_slice %arg5[%add3A_344, %dma_start3A_348] : memref<200x128xi32, #tpu.memory_space<vmem>> -> memref<1x128xi32, #tpu.memory_space<vmem>>
        %dma_start3A_350 = tpu.memref_squeeze %dma_start3A_349 : memref<1x128xi32, #tpu.memory_space<vmem>> -> memref<128xi32, #tpu.memory_space<vmem>>
        %dma_start3A_351 = arith.constant 0 : i32
        %dma_start3A_352 = arith.constant 0 : i32
        %dma_start3A_353 = tpu.memref_slice %arg2[%dma_start3A_351, %dma_start3A_352] : memref<1000000x32xf32, #tpu.memory_space<hbm>> -> memref<1000000x32xf32, #tpu.memory_space<hbm>>
        tpu.enqueue_indirect_dma source(%dma_start3A_353 : memref<1000000x32xf32, #tpu.memory_space<hbm>>) target(%dma_start3A_347 : memref<128x32xf32, #tpu.memory_space<vmem>>) offsets(%dma_start3A_350 : memref<128xi32, #tpu.memory_space<vmem>>) semaphore(%arg8 : memref<!tpu.dma_semaphore, #tpu.memory_space<semaphore_mem>>)
        %mul3A_354 = arith.constant 10 : i32
        %mul3A_355 = arith.muli %add3A_301, %mul3A_354 : i32
        %add3A_356 = arith.constant 4 : i32
        %add3A_357 = arith.addi %mul3A_355, %add3A_356 : i32
        %dma_start3A_358 = arith.constant 512 : i32
        %dma_start3A_359 = arith.constant 0 : i32
        %dma_start3A_360 = tpu.memref_slice %arg6[%dma_start3A_358, %dma_start3A_359] : memref<1280x32xf32, #tpu.memory_space<vmem>> -> memref<128x32xf32, #tpu.memory_space<vmem>>
        %dma_start3A_361 = arith.constant 0 : i32
        %dma_start3A_362 = tpu.memref_slice %arg5[%add3A_357, %dma_start3A_361] : memref<200x128xi32, #tpu.memory_space<vmem>> -> memref<1x128xi32, #tpu.memory_space<vmem>>
        %dma_start3A_363 = tpu.memref_squeeze %dma_start3A_362 : memref<1x128xi32, #tpu.memory_space<vmem>> -> memref<128xi32, #tpu.memory_space<vmem>>
        %dma_start3A_364 = arith.constant 0 : i32
        %dma_start3A_365 = arith.constant 0 : i32
        %dma_start3A_366 = tpu.memref_slice %arg2[%dma_start3A_364, %dma_start3A_365] : memref<1000000x32xf32, #tpu.memory_space<hbm>> -> memref<1000000x32xf32, #tpu.memory_space<hbm>>
        tpu.enqueue_indirect_dma source(%dma_start3A_366 : memref<1000000x32xf32, #tpu.memory_space<hbm>>) target(%dma_start3A_360 : memref<128x32xf32, #tpu.memory_space<vmem>>) offsets(%dma_start3A_363 : memref<128xi32, #tpu.memory_space<vmem>>) semaphore(%arg8 : memref<!tpu.dma_semaphore, #tpu.memory_space<semaphore_mem>>)
        %mul3A_367 = arith.constant 10 : i32
        %mul3A_368 = arith.muli %add3A_301, %mul3A_367 : i32
        %add3A_369 = arith.constant 5 : i32
        %add3A_370 = arith.addi %mul3A_368, %add3A_369 : i32
        %dma_start3A_371 = arith.constant 640 : i32
        %dma_start3A_372 = arith.constant 0 : i32
        %dma_start3A_373 = tpu.memref_slice %arg6[%dma_start3A_371, %dma_start3A_372] : memref<1280x32xf32, #tpu.memory_space<vmem>> -> memref<128x32xf32, #tpu.memory_space<vmem>>
        %dma_start3A_374 = arith.constant 0 : i32
        %dma_start3A_375 = tpu.memref_slice %arg5[%add3A_370, %dma_start3A_374] : memref<200x128xi32, #tpu.memory_space<vmem>> -> memref<1x128xi32, #tpu.memory_space<vmem>>
        %dma_start3A_376 = tpu.memref_squeeze %dma_start3A_375 : memref<1x128xi32, #tpu.memory_space<vmem>> -> memref<128xi32, #tpu.memory_space<vmem>>
        %dma_start3A_377 = arith.constant 0 : i32
        %dma_start3A_378 = arith.constant 0 : i32
        %dma_start3A_379 = tpu.memref_slice %arg2[%dma_start3A_377, %dma_start3A_378] : memref<1000000x32xf32, #tpu.memory_space<hbm>> -> memref<1000000x32xf32, #tpu.memory_space<hbm>>
        tpu.enqueue_indirect_dma source(%dma_start3A_379 : memref<1000000x32xf32, #tpu.memory_space<hbm>>) target(%dma_start3A_373 : memref<128x32xf32, #tpu.memory_space<vmem>>) offsets(%dma_start3A_376 : memref<128xi32, #tpu.memory_space<vmem>>) semaphore(%arg8 : memref<!tpu.dma_semaphore, #tpu.memory_space<semaphore_mem>>)
        %mul3A_380 = arith.constant 10 : i32
        %mul3A_381 = arith.muli %add3A_301, %mul3A_380 : i32
        %add3A_382 = arith.constant 6 : i32
        %add3A_383 = arith.addi %mul3A_381, %add3A_382 : i32
        %dma_start3A_384 = arith.constant 768 : i32
        %dma_start3A_385 = arith.constant 0 : i32
        %dma_start3A_386 = tpu.memref_slice %arg6[%dma_start3A_384, %dma_start3A_385] : memref<1280x32xf32, #tpu.memory_space<vmem>> -> memref<128x32xf32, #tpu.memory_space<vmem>>
        %dma_start3A_387 = arith.constant 0 : i32
        %dma_start3A_388 = tpu.memref_slice %arg5[%add3A_383, %dma_start3A_387] : memref<200x128xi32, #tpu.memory_space<vmem>> -> memref<1x128xi32, #tpu.memory_space<vmem>>
        %dma_start3A_389 = tpu.memref_squeeze %dma_start3A_388 : memref<1x128xi32, #tpu.memory_space<vmem>> -> memref<128xi32, #tpu.memory_space<vmem>>
        %dma_start3A_390 = arith.constant 0 : i32
        %dma_start3A_391 = arith.constant 0 : i32
        %dma_start3A_392 = tpu.memref_slice %arg2[%dma_start3A_390, %dma_start3A_391] : memref<1000000x32xf32, #tpu.memory_space<hbm>> -> memref<1000000x32xf32, #tpu.memory_space<hbm>>
        tpu.enqueue_indirect_dma source(%dma_start3A_392 : memref<1000000x32xf32, #tpu.memory_space<hbm>>) target(%dma_start3A_386 : memref<128x32xf32, #tpu.memory_space<vmem>>) offsets(%dma_start3A_389 : memref<128xi32, #tpu.memory_space<vmem>>) semaphore(%arg8 : memref<!tpu.dma_semaphore, #tpu.memory_space<semaphore_mem>>)
        %mul3A_393 = arith.constant 10 : i32
        %mul3A_394 = arith.muli %add3A_301, %mul3A_393 : i32
        %add3A_395 = arith.constant 7 : i32
        %add3A_396 = arith.addi %mul3A_394, %add3A_395 : i32
        %dma_start3A_397 = arith.constant 896 : i32
        %dma_start3A_398 = arith.constant 0 : i32
        %dma_start3A_399 = tpu.memref_slice %arg6[%dma_start3A_397, %dma_start3A_398] : memref<1280x32xf32, #tpu.memory_space<vmem>> -> memref<128x32xf32, #tpu.memory_space<vmem>>
        %dma_start3A_400 = arith.constant 0 : i32
        %dma_start3A_401 = tpu.memref_slice %arg5[%add3A_396, %dma_start3A_400] : memref<200x128xi32, #tpu.memory_space<vmem>> -> memref<1x128xi32, #tpu.memory_space<vmem>>
        %dma_start3A_402 = tpu.memref_squeeze %dma_start3A_401 : memref<1x128xi32, #tpu.memory_space<vmem>> -> memref<128xi32, #tpu.memory_space<vmem>>
        %dma_start3A_403 = arith.constant 0 : i32
        %dma_start3A_404 = arith.constant 0 : i32
        %dma_start3A_405 = tpu.memref_slice %arg2[%dma_start3A_403, %dma_start3A_404] : memref<1000000x32xf32, #tpu.memory_space<hbm>> -> memref<1000000x32xf32, #tpu.memory_space<hbm>>
        tpu.enqueue_indirect_dma source(%dma_start3A_405 : memref<1000000x32xf32, #tpu.memory_space<hbm>>) target(%dma_start3A_399 : memref<128x32xf32, #tpu.memory_space<vmem>>) offsets(%dma_start3A_402 : memref<128xi32, #tpu.memory_space<vmem>>) semaphore(%arg8 : memref<!tpu.dma_semaphore, #tpu.memory_space<semaphore_mem>>)
        %mul3A_406 = arith.constant 10 : i32
        %mul3A_407 = arith.muli %add3A_301, %mul3A_406 : i32
        %add3A_408 = arith.constant 8 : i32
        %add3A_409 = arith.addi %mul3A_407, %add3A_408 : i32
        %dma_start3A_410 = arith.constant 1024 : i32
        %dma_start3A_411 = arith.constant 0 : i32
        %dma_start3A_412 = tpu.memref_slice %arg6[%dma_start3A_410, %dma_start3A_411] : memref<1280x32xf32, #tpu.memory_space<vmem>> -> memref<128x32xf32, #tpu.memory_space<vmem>>
        %dma_start3A_413 = arith.constant 0 : i32
        %dma_start3A_414 = tpu.memref_slice %arg5[%add3A_409, %dma_start3A_413] : memref<200x128xi32, #tpu.memory_space<vmem>> -> memref<1x128xi32, #tpu.memory_space<vmem>>
        %dma_start3A_415 = tpu.memref_squeeze %dma_start3A_414 : memref<1x128xi32, #tpu.memory_space<vmem>> -> memref<128xi32, #tpu.memory_space<vmem>>
        %dma_start3A_416 = arith.constant 0 : i32
        %dma_start3A_417 = arith.constant 0 : i32
        %dma_start3A_418 = tpu.memref_slice %arg2[%dma_start3A_416, %dma_start3A_417] : memref<1000000x32xf32, #tpu.memory_space<hbm>> -> memref<1000000x32xf32, #tpu.memory_space<hbm>>
        tpu.enqueue_indirect_dma source(%dma_start3A_418 : memref<1000000x32xf32, #tpu.memory_space<hbm>>) target(%dma_start3A_412 : memref<128x32xf32, #tpu.memory_space<vmem>>) offsets(%dma_start3A_415 : memref<128xi32, #tpu.memory_space<vmem>>) semaphore(%arg8 : memref<!tpu.dma_semaphore, #tpu.memory_space<semaphore_mem>>)
        %mul3A_419 = arith.constant 10 : i32
        %mul3A_420 = arith.muli %add3A_301, %mul3A_419 : i32
        %add3A_421 = arith.constant 9 : i32
        %add3A_422 = arith.addi %mul3A_420, %add3A_421 : i32
        %dma_start3A_423 = arith.constant 1152 : i32
        %dma_start3A_424 = arith.constant 0 : i32
        %dma_start3A_425 = tpu.memref_slice %arg6[%dma_start3A_423, %dma_start3A_424] : memref<1280x32xf32, #tpu.memory_space<vmem>> -> memref<128x32xf32, #tpu.memory_space<vmem>>
        %dma_start3A_426 = arith.constant 0 : i32
        %dma_start3A_427 = tpu.memref_slice %arg5[%add3A_422, %dma_start3A_426] : memref<200x128xi32, #tpu.memory_space<vmem>> -> memref<1x128xi32, #tpu.memory_space<vmem>>
        %dma_start3A_428 = tpu.memref_squeeze %dma_start3A_427 : memref<1x128xi32, #tpu.memory_space<vmem>> -> memref<128xi32, #tpu.memory_space<vmem>>
        %dma_start3A_429 = arith.constant 0 : i32
        %dma_start3A_430 = arith.constant 0 : i32
        %dma_start3A_431 = tpu.memref_slice %arg2[%dma_start3A_429, %dma_start3A_430] : memref<1000000x32xf32, #tpu.memory_space<hbm>> -> memref<1000000x32xf32, #tpu.memory_space<hbm>>
        tpu.enqueue_indirect_dma source(%dma_start3A_431 : memref<1000000x32xf32, #tpu.memory_space<hbm>>) target(%dma_start3A_425 : memref<128x32xf32, #tpu.memory_space<vmem>>) offsets(%dma_start3A_428 : memref<128xi32, #tpu.memory_space<vmem>>) semaphore(%arg8 : memref<!tpu.dma_semaphore, #tpu.memory_space<semaphore_mem>>)
      } else {
      }
      %dma_wait3A_275 = arith.constant 0 : i32
      %dma_wait3A_276 = arith.constant 0 : i32
      %dma_wait3A_277 = tpu.memref_slice %arg2[%dma_wait3A_275, %dma_wait3A_276] : memref<1000000x32xf32, #tpu.memory_space<hbm>> -> memref<1280x32xf32, #tpu.memory_space<hbm>>
      %dma_wait3A_278 = arith.constant 0 : i32
      %dma_wait3A_279 = arith.constant 0 : i32
      %dma_wait3A_280 = tpu.memref_slice %arg2[%dma_wait3A_278, %dma_wait3A_279] : memref<1000000x32xf32, #tpu.memory_space<hbm>> -> memref<1280x32xf32, #tpu.memory_space<hbm>>
      tpu.wait_dma2 semaphore(%arg9 : memref<!tpu.dma_semaphore, #tpu.memory_space<semaphore_mem>>) src(%dma_wait3A_280 : memref<1280x32xf32, #tpu.memory_space<hbm>>) dst(%arg7 : memref<1280x32xf32, #tpu.memory_space<vmem>>)
      %mul3A_281 = arith.constant 2 : i32
      %mul3A_282 = arith.muli %mul3A_281, %scan3A_119 : i32
      %add3A_283 = arith.constant 1 : i32
      %add3A_284 = arith.addi %mul3A_282, %add3A_283 : i32
      %mul3A_285 = arith.constant 1280 : i32
      %mul3A_286 = arith.muli %add3A_284, %mul3A_285 : i32
      %add3A_287 = arith.addi %mul3A_2, %mul3A_286 : i32
      %dma_start3A_288 = arith.constant 0 : i32
      %dma_start3A_289 = tpu.memref_slice %arg4[%add3A_287, %dma_start3A_288] : memref<819200x32xf32, #tpu.memory_space<hbm>> -> memref<1280x32xf32, #tpu.memory_space<hbm>>
      %dma_start3A_290 = arith.constant 0 : i32
      %dma_start3A_291 = tpu.memref_slice %arg4[%add3A_287, %dma_start3A_290] : memref<819200x32xf32, #tpu.memory_space<hbm>> -> memref<1280x32xf32, #tpu.memory_space<hbm>>
      tpu.enqueue_dma source(%arg7 : memref<1280x32xf32, #tpu.memory_space<vmem>>) target(%dma_start3A_291 : memref<1280x32xf32, #tpu.memory_space<hbm>>) target_semaphore(%arg11 : memref<!tpu.dma_semaphore, #tpu.memory_space<semaphore_mem>>)
    }
    %scan3A_107 = arith.constant 10 : i32
    %dma_wait3A = arith.constant 0 : i32
    %dma_wait3A_108 = arith.constant 0 : i32
    %dma_wait3A_109 = tpu.memref_slice %arg4[%dma_wait3A, %dma_wait3A_108] : memref<819200x32xf32, #tpu.memory_space<hbm>> -> memref<1280x32xf32, #tpu.memory_space<hbm>>
    %dma_wait3A_110 = arith.constant 0 : i32
    %dma_wait3A_111 = arith.constant 0 : i32
    %dma_wait3A_112 = tpu.memref_slice %arg4[%dma_wait3A_110, %dma_wait3A_111] : memref<819200x32xf32, #tpu.memory_space<hbm>> -> memref<1280x32xf32, #tpu.memory_space<hbm>>
    tpu.wait_dma2 semaphore(%arg10 : memref<!tpu.dma_semaphore, #tpu.memory_space<semaphore_mem>>) src(%arg6 : memref<1280x32xf32, #tpu.memory_space<vmem>>) dst(%dma_wait3A_112 : memref<1280x32xf32, #tpu.memory_space<hbm>>)
    %dma_wait3A_113 = arith.constant 0 : i32
    %dma_wait3A_114 = arith.constant 0 : i32
    %dma_wait3A_115 = tpu.memref_slice %arg4[%dma_wait3A_113, %dma_wait3A_114] : memref<819200x32xf32, #tpu.memory_space<hbm>> -> memref<1280x32xf32, #tpu.memory_space<hbm>>
    %dma_wait3A_116 = arith.constant 0 : i32
    %dma_wait3A_117 = arith.constant 0 : i32
    %dma_wait3A_118 = tpu.memref_slice %arg4[%dma_wait3A_116, %dma_wait3A_117] : memref<819200x32xf32, #tpu.memory_space<hbm>> -> memref<1280x32xf32, #tpu.memory_space<hbm>>
    tpu.wait_dma2 semaphore(%arg11 : memref<!tpu.dma_semaphore, #tpu.memory_space<semaphore_mem>>) src(%arg7 : memref<1280x32xf32, #tpu.memory_space<vmem>>) dst(%dma_wait3A_118 : memref<1280x32xf32, #tpu.memory_space<hbm>>)
    return
  }
}

</mosaic_0001>

<sc_bundles>
// kernel: kernel.3.cloned.1.call-start
scs
__scs_entry_jumppad:
0x0: {  	(pc) =	sbr.rel $0x88, $3  }
0x1: {  	(tag) =	ssettag $0x0;
	lr =	simm.s32 $0x1  }
0x2: {  	[smem:$0x3F9F] =	sst lr;
	_ =	strace $0xD0000000  }
0x3: {  	_ = 	snop  }
0x4: {  	_ = 	snop  }
0x5: {  	_ = 	snop  }
0x6: {  	_ = 	snop  }
0x7: {  	_ = 	snop  }
__scs_overlays_trampoline_lowered:
0x8: {  	[smem:$0x3FAE] =	sst s0  }
0x9: {  	[smem:$0x3FAF] =	sst s1  }
0xa: {  	[smem:$0x3FB0] =	sst s2  }
0xb: {  	[smem:$0x3FB1] =	sst s3  }
0xc: {  	[smem:$0x3FB2] =	sst s4  }
0xd: {  	[smem:$0x3FB3] =	sst s5  }
0xe: {  	[smem:$0x3FB4] =	sst s6  }
0xf: {  	[smem:$0x3FB5] =	sst s7  }
0x10: {  	[smem:$0x3FB6] =	sst s8  }
0x11: {  	[smem:$0x3FB7] =	sst s9;
	s0 =	simm.s32 @!p0 $0x0  }
0x12: {  	s1 =	sld [smem:$0x3F9D];
	s0 =	simm.s32 @p0 $0x1  }
0x13: {  	[smem:$0x3FB8] =	sst s0;
	s0 =	simm.s32 @!p1 $0x0  }
0x14: {  	s2 =	sld [smem:$0x3F9C];
	s0 =	simm.s32 @p1 $0x1  }
0x15: {  	[smem:$0x3FB9] =	sst s0;
	s0 =	simm.s32 @!p2 $0x0  }
0x16: {  	s3 =	sld [smem:$0x3FDB];
	s0 =	simm.s32 @p2 $0x1  }
0x17: {  	s4 =	simm.s32 $0x1BF5;
	[smem:$0x3FBB] =	sst s0  }
0x18: {  	s0 =	sld [smem:$0x3F9E];
	_ =	swait.ge [sflag:s4], $0x0  }
0x19: {  	s7 =	sld [smem:$0x3F9F]  }
0x1a: {  	s8 =	sadd.s32 $0xFFFFE003, lr  }
0x1b: {  	s9 =	sadd.s32 $0xFFFFFEF7, lr;
	s5 =	simm.s32 $0xFFFFFFFF;
	p2 =	slt.u32 s8, $0xFFFFF086  }
0x1c: {  	p1 =	slt.u32 s9, $0xF7A;
	s5 =	simm.s32 @!p2 $0x0  }
0x1d: {  	s5 =	simm.s32 @p1 $0x1;
	p0 =	seq.s32 s7, s2  }
0x1e: {  	s7 =	smul.u32 @!p0 $0xF7A, s2;
	p2 =	seq.s32 @!p0 s5, $0x0  }
0x1f: {  	s9 =	smul.u32 $0xF7A, s1;
	s8 =	simm.s32 @!p0 $0x1BF5;
	p2 =	por !p2, p0  }
0x20: {  	[sflag:s8] =	ssyncset.s32 @!p0 $0xFFFFF086;
	s6 =	sadd.s32 @!p0 s3, s7;
	s7 =	simm.s32 @!p0 $0x108  }
0x21: {  	s3 =	sadd.s32 s3, s9;
	s6 =	sadd.s32 @!p0 $0x88, s6;
	s7 =	simm.s32 @p2 $0x1082  }
0x22: {  	[simem:s7], [sflag:s8] =	dma.local @!p0 [hbm:s6], $0xF7A  }
0x23: {  	s9 =	sor.u32 $0xD0000000, s2;
	s6 =	simm.s32 $0x108;
	_ =	swait.ge @!p0 [sflag:s8], $0x0  }
0x24: {  	s3 =	sadd.s32 $0x88, s3;
	s6 =	simm.s32 @!p1 $0x1082;
	[sflag:s4] =	ssyncset.s32 $0xFFFFF086  }
0x25: {  	[simem:s6], [sflag:s4] =	dma.local [hbm:s3], $0xF7A  }
0x26: {  	[smem:$0x3F9F] =	sst s1;
	(tag) =	ssettag s2;
	_ =	strace s9  }
0x27: {  	s1 =	sld [smem:$0x3FAF]  }
0x28: {  	s2 =	sld [smem:$0x3FB0]  }
0x29: {  	s4 =	sld [smem:$0x3FB2]  }
0x2a: {  	p0 =	seq.s32 s5, $0x0;
	s5 =	sld [smem:$0x3FB3]  }
0x2b: {  	s6 =	sld [smem:$0x3FB4]  }
0x2c: {  	s7 =	sld [smem:$0x3FB5]  }
0x2d: {  	s3 =	simm.s32 $0x108;
	s8 =	sld [smem:$0x3FB6]  }
0x2e: {  	s3 =	simm.s32 @!p0 $0x1082;
	s9 =	sld [smem:$0x3FB7]  }
0x2f: {  	lr =	sadd.s32 s0, s3;
	s0 =	sld [smem:$0x3FAE]  }
0x30: {  	s3 =	sld [smem:$0x3FB1]  }
0x31: {  	[smem:$0x3FBA] =	sst s10  }
0x32: {  	s10 =	sld [smem:$0x3FB8];
	_ =	sdelay $0x3  }
0x33: {  	p0 =	seq.s32 s10, $0x1;
	s10 =	sld [smem:$0x3FBA];
	_ =	sdelay $0x3  }
0x34: {  	[smem:$0x3FBA] =	sst s10  }
0x35: {  	s10 =	sld [smem:$0x3FB9];
	_ =	sdelay $0x3  }
0x36: {  	p1 =	seq.s32 s10, $0x1;
	s10 =	sld [smem:$0x3FBA];
	_ =	sdelay $0x3  }
0x37: {  	[smem:$0x3FBA] =	sst s10  }
0x38: {  	s10 =	sld [smem:$0x3FBB]  }
0x39: {  	_ = 	snop;
	(pc) =	sbr.ind lr, $3  }
0x3a: {  	_ = 	snop  }
0x3b: {  	_ = 	snop  }
0x3c: {  	p2 =	seq.s32 s10, $0x1;
	s10 =	sld [smem:$0x3FBA]  }
0x3d: {  	_ =	shalt  }
0x3e: {  	_ =	shalt  }
0x3f: {  	_ =	shalt  }
0x40: {  	_ =	shalt  }
0x41: {  	_ =	shalt  }
0x42: {  	_ =	shalt  }
0x43: {  	_ =	shalt  }
0x44: {  	_ =	shalt  }
0x45: {  	_ =	shalt  }
0x46: {  	_ =	shalt  }
0x47: {  	_ =	shalt  }
0x48: {  	_ =	shalt  }
0x49: {  	_ =	shalt  }
0x4a: {  	_ =	shalt  }
0x4b: {  	_ =	shalt  }
0x4c: {  	_ =	shalt  }
0x4d: {  	_ =	shalt  }
0x4e: {  	_ =	shalt  }
0x4f: {  	_ =	shalt  }
0x50: {  	_ =	shalt  }
0x51: {  	_ =	shalt  }
0x52: {  	_ =	shalt  }
0x53: {  	_ =	shalt  }
0x54: {  	_ =	shalt  }
0x55: {  	_ =	shalt  }
0x56: {  	_ =	shalt  }
0x57: {  	_ =	shalt  }
0x58: {  	_ =	shalt  }
0x59: {  	_ =	shalt  }
0x5a: {  	_ =	shalt  }
0x5b: {  	_ =	shalt  }
0x5c: {  	_ =	shalt  }
0x5d: {  	_ =	shalt  }
0x5e: {  	_ =	shalt  }
0x5f: {  	_ =	shalt  }
0x60: {  	_ =	shalt  }
0x61: {  	_ =	shalt  }
0x62: {  	_ =	shalt  }
0x63: {  	_ =	shalt  }
0x64: {  	_ =	shalt  }
0x65: {  	_ =	shalt  }
0x66: {  	_ =	shalt  }
0x67: {  	_ =	shalt  }
0x68: {  	_ =	shalt  }
0x69: {  	_ =	shalt  }
0x6a: {  	_ =	shalt  }
0x6b: {  	_ =	shalt  }
0x6c: {  	_ =	shalt  }
0x6d: {  	_ =	shalt  }
0x6e: {  	_ =	shalt  }
0x6f: {  	_ =	shalt  }
0x70: {  	_ =	shalt  }
0x71: {  	_ =	shalt  }
0x72: {  	_ =	shalt  }
0x73: {  	_ =	shalt  }
0x74: {  	_ =	shalt  }
0x75: {  	_ =	shalt  }
0x76: {  	_ =	shalt  }
0x77: {  	_ =	shalt  }
0x78: {  	_ =	shalt  }
0x79: {  	_ =	shalt  }
0x7a: {  	_ =	shalt  }
0x7b: {  	_ =	shalt  }
0x7c: {  	_ =	shalt  }
0x7d: {  	_ =	shalt  }
0x7e: {  	_ =	shalt  }
0x7f: {  	_ =	shalt  }
0x80: {  	_ =	shalt  }
0x81: {  	_ =	shalt  }
0x82: {  	_ =	shalt  }
0x83: {  	_ =	shalt  }
0x84: {  	_ =	shalt  }
0x85: {  	_ =	shalt  }
0x86: {  	_ =	shalt  }
0x87: {  	_ =	shalt  }
.Lfunc_end0:
.L_simem_size_0:
called_computation.1_lowered:
.L_overlay_start_0:
0x88: {  	s2 =	sld [smem:$0x3FD9]  }
0x89: {  	s3 =	sld [smem:$0x3FFE];
	_ =	sdelay $0x1  }
0x8a: {  	s1 =	srdreg.scid  }
0x8b: {  	s0 =	sand.u32 $0x1, s1  }
0x8c: {  	s17 =	sshll.u32 s0, $0xA;
	s2 =	sadd.s32 s3, s2  }
0x8d: {  	s2 =	sadd.s32 s2, s17  }
0x8e: {  	[smem:$0x3FC6] =	sst s2  }
0x8f: {  	_ = 	snop  }
0x90: {  	s2 =	sld [smem:$0x3FD0];
	(tm) =	ssettm $0x1  }
0x91: {  	s18 =	sld [smem:$0x3FFB];
	_ =	sdelay $0x3  }
0x92: {  	_ =	strace s18  }
0x93: {  	s3 =	sld [smem:$0x3FFC];
	_ =	sdelay $0x3  }
0x94: {  	_ =	strace s3  }
0x95: {  	s3 =	sld [smem:$0x3FFD];
	_ =	sdelay $0x3  }
0x96: {  	_ =	strace s3  }
0x97: {  	_ =	strace $0x8FFFFFFF  }
0x98: {  	s19 =	sld [smem:$0x3FDB];
	_ =	sdelay $0x1  }
0x99: {  	s4 =	simm.s32 $_scs_section_size  }
0x9a: {  	s5 =	simm.s32 $_size__tile_overlayer_lowered;
	s6 =	simm.s32 $_tile_overlayer_lowered  }
0x9b: {  	s22 =	simm.s32 $0x1BFF;
	s21 =	sshll.u32 s6, $0x1;
	s3 =	sadd.s32 s4, s19  }
0x9c: {  	s7 =	simm.s32 $0x0;
	s20 =	sshll.u32 s5, $0x1;
	s5 =	sadd.s32 s21, s3  }
0x9d: {  	[timem:s7], [sflag:s22] =	dma.local [hbm:s5], s20  }
0x9e: {  	_ =	swait.ge [sflag:s22], s20  }
0x9f: {  	s4 =	ssub.s32 $0x0, s20;
	[sflag:s22] =	ssyncset.done $0x0  }
0xa0: {  	[sflag:s22] =	ssyncadd.s32 s4;
	_ =	sdelay $0x1  }
0xa1: {  	s23 =	simm.s32 $0x1B8B  }
0xa2: {  	_ =	swait.ge [sflag:s23], $0x1  }
0xa3: {  	[sflag:s23] =	ssyncset.done $0x0  }
0xa4: {  	s25 =	simm.s32 $0x1B8E;
	s24 =	sld [smem:$0x3FFE];
	[sflag:s23] =	ssyncadd.s32 $0xFFFFFFFF  }
0xa5: {  	s26 =	simm.s32 $execute0_lowered;
	[smem:$0x3FD2] =	sst s25  }
0xa6: {  	s5 =	sshll.u32 s26, $0x1;
	_ =	strace $0x80000046;
	[dreg:$0x1] =	wrdreg $0xFFFFFFFF  }
0xa7: {  	s28 =	simm.s32 $_size_execute0_lowered;
	s3 =	sadd.s32 s3, s5;
	[dreg:$0x0] =	wrdreg $0x0  }
0xa8: {  	s5 =	sshll.u32 s28, $0x1;
	[dreg:$0x2] =	wrdreg s3  }
0xa9: {  	[dreg:$0x3] =	wrdreg s5  }
0xaa: {  	[dreg:$0x4] =	wrdreg $0xC0  }
0xab: {  	_ =	task [dreg:s7], $0x5FFFF  }
0xac: {  	[dreg:$0x1] =	wrdreg $0xFFFFFFFF  }
0xad: {  	[dreg:$0x0] =	wrdreg $0x60  }
0xae: {  	[dreg:$0x2] =	wrdreg s24  }
0xaf: {  	[dreg:$0x3] =	wrdreg s2  }
0xb0: {  	[dreg:$0x4] =	wrdreg $0x9  }
0xb1: {  	_ =	task.clear_ibuf [dreg:s7], $0x5FFFF;
	_ =	strace $0x90000046  }
0xb2: {  	s29 =	simm.s32 $0x9;
	_ =	strace $0x80000048  }
0xb3: {  	_ =	swait.ge [sflag:s29], $0x1  }
0xb4: {  	[sflag:s29] =	ssyncadd.s32 $0xFFFFFFFF  }
0xb5: {  	_ =	strace $0x90000048  }
0xb6: {  	_ =	sfence  }
0xb7: {  	s30 =	sld [smem:$0x0];
	_ =	sdelay $0x2  }
0xb8: {  	s31 =	sshll.u32 s1, $0xD;
	s1 =	sshrl.u32 s1, $0x2  }
0xb9: {  	s3 =	sand.u32 $0x4000, s31;
	s1 =	sadd.s32 s1, s30  }
0xba: {  	s0 =	sor.u32 s3, s0;
	s1 =	sshll.u32 s1, $0x11  }
0xbb: {  	s0 =	sor.u32 s1, s0  }
0xbc: {  	s0 =	sadd.s32 $0x8F2B, s0  }
0xbd: {  	[sflag:s0] =	ssyncadd.remote.s32 $0x1  }
0xbe: {  	_ =	sfence.sel $0xFFFF  }
0xbf: {  	[dreg:$0x0] =	wrdreg $0xFFFFFFFF;
	(pc) =	sbr.abs _section_cstart, $3  }
0xc0: {  	[dreg:$0x1] =	wrdreg $0xFFFFFFFF  }
0xc1: {  	_ =	task.clear_ibuf [dreg:s7], $0x2FFFF;
	_ =	strace $0x9FFFFFFF  }
0xc2: {  	(tm) =	ssettm $0x7FFFFFFF  }
0xc3: {  	_ =	shalt  }
tec
execute0_lowered:
.L_overlay_start_1:
0x0: {  	(tag) =	ssettag $0x1  }
0x1: {  	s0 =	srdreg.scid;
	s1 =	rddreg [dreg:$0x0]  }
0x2: {  	s10 =	stileid.u32;
	s4 =	rddreg [dreg:$0x1];
	s11 =	simm.s32 $0x80  }
0x3: {  	s12 =	simm.s32 $0x6400;
	s13 =	simm.s32 $0x7400;
	s15 =	simm.s32 $0x8400  }
0x4: {  	s28 =	simm.s32 $0xE400;
	s30 =	simm.s32 $0xF400;
	s8 =	smul.u32 $0x32000, s10  }
0x5: {  	s0 =	sand.u32 $0x1, s0;
	s2 =	sshll.u32 s10, $0x1;
	s10 =	smul.u32 $0xC800, s10  }
0x6: {  	s14 =	simm.s32 $0x11400;
	s31 =	simm.s32 $0x15400;
	s18 =	smul.u32 $0x6400, s0  }
0x7: {  	s3 =	sor.u32 s0, s2;
	s7 =	ssub.s32 $0x2, s0;
	s0 =	smul.u32 $0x19000, s0  }
0x8: {  	s16 =	simm.s32 $0x16400;
	s2 =	simm.s32 $0x0;
	s5 =	smul.u32 $0xC80, s3  }
0x9: {  	s29 =	simm.s32 $0x19400;
	[smem:$0x7FF] =	sst s2;
	s6 =	smul.u32 $0x19000, s3  }
0xa: {  	s3 =	sadd.s32 $0xF42E00, s1;
	s9 =	sshrl.u32 s7, $0x1;
	s20 =	sadd.s32 s8, s4  }
0xb: {  	s8 =	simm.s32 $0x0;
	_ =	strace $0x80000047;
	s17 =	ssub.s32 s7, s9  }
0xc: {  	s21 =	sadd.s32 s18, s10;
	s0 =	sadd.s32 s0, s20;
	s18 =	simm.s32 $0x12400  }
0xd: {  	s20 =	simm.s32 $0x1;
	s7 =	simm.s32 $0x4;
	s19 =	smax.u32 s17, $0x1  }
0xe: {  	s1 =	sadd.s32 s5, s1;
	s6 =	sadd.s32 s4, s6;
	[dreg:$0x6] =	wrdreg s19  }
0xf: {  	s23 =	sshll.u32 s21, $0x2;
	s0 =	sadd.s32 $0x2800, s0;
	[dreg:$0x7] =	wrdreg s6  }
0x10: {  	s17 =	simm.s32 $0x9400;
	s1 =	sadd.s32 $0xA00, s1;
	[dreg:$0x3] =	wrdreg s0  }
0x11: {  	s21 =	simm.s32 $0xB400;
	s22 =	sadd.s32 $0x1400, s6;
	[dreg:$0x5] =	wrdreg s1  }
0x12: {  	s5 =	simm.s32 $0x2;
	s24 =	sadd.s32 $0x16800, s6;
	[dreg:$0x8] =	wrdreg s22  }
0x13: {  	s25 =	sadd.s32 $0x17C00, s6;
	s19 =	simm.s32 $0xA400;
	[dreg:$0x9] =	wrdreg s24  }
0x14: {  	s0 =	simm.s32 $0x18400;
	s1 =	sadd.s32 s4, s23;
	[dreg:$0xa] =	wrdreg s25  }
0x15: {  	s23 =	simm.s32 $0xC400;
	s25 =	simm.s32 $0xD400;
	s22 =	simm.s32 $0x13400  }
0x16: {  	s24 =	simm.s32 $0x17400;
	s4 =	simm.s32 $0x3;
	s26 =	sadd.s32 $0x3C00, s1  }
0x17: {  	s1 =	simm.s32 $0x10400;
	[dreg:$0x4] =	wrdreg s26;
	s26 =	simm.s32 $0x14400  }
.LBB2_1:
0x18: {  	[dreg:$0xb] =	wrdreg s8  }
0x19: {  	s6 =	rddreg [dreg:$0x5];
	s9 =	simm.s32 $0x5  }
0x1a: {  	[tilespmem:s2], [sflag:$0x5] =	stream.linear.gather [hbm4b:s6+s2], $0x6400, $0x38;
	[tilespmem:$0x1A400] =	vst v63  }
0x1b: {  	_ =	swait.ge [sflag:s9], $0x6400  }
0x1c: {  	[sflag:s9] =	ssyncset.done $0x0  }
0x1d: {  	[sflag:s9] =	ssyncadd.s32 $0xFFFF9C00  }
0x1e: {  	[tilespmem:s12], [sflag:$0x1] =	stream.indirect.gather [hbm4b:s3+s11], $0x20, s2, s11, $0xb8;
	[tilespmem:$0x1A400] =	vst v63  }
0x1f: {  	_ = 	snop  }
0x20: {  	[tilespmem:s13], [sflag:$0x1] =	stream.indirect.gather [hbm4b:s3+s11], $0x20, s11, s11, $0xb8;
	[tilespmem:$0x1A400] =	vst v63  }
0x21: {  	s10 =	simm.s32 $0x100  }
0x22: {  	[tilespmem:s15], [sflag:$0x1] =	stream.indirect.gather [hbm4b:s3+s11], $0x20, s10, s11, $0xb8;
	[tilespmem:$0x1A400] =	vst v63  }
0x23: {  	s8 =	simm.s32 $0x180  }
0x24: {  	[tilespmem:s17], [sflag:$0x1] =	stream.indirect.gather [hbm4b:s3+s11], $0x20, s8, s11, $0xb8;
	[tilespmem:$0x1A400] =	vst v63  }
0x25: {  	s9 =	simm.s32 $0x200  }
0x26: {  	[tilespmem:s19], [sflag:$0x1] =	stream.indirect.gather [hbm4b:s3+s11], $0x20, s9, s11, $0xb8;
	[tilespmem:$0x1A400] =	vst v63  }
0x27: {  	s10 =	simm.s32 $0x280  }
0x28: {  	[tilespmem:s21], [sflag:$0x1] =	stream.indirect.gather [hbm4b:s3+s11], $0x20, s10, s11, $0xb8;
	[tilespmem:$0x1A400] =	vst v63  }
0x29: {  	s8 =	simm.s32 $0x300  }
0x2a: {  	[tilespmem:s23], [sflag:$0x1] =	stream.indirect.gather [hbm4b:s3+s11], $0x20, s8, s11, $0xb8;
	[tilespmem:$0x1A400] =	vst v63  }
0x2b: {  	s9 =	simm.s32 $0x380  }
0x2c: {  	[tilespmem:s25], [sflag:$0x1] =	stream.indirect.gather [hbm4b:s3+s11], $0x20, s9, s11, $0xb8;
	[tilespmem:$0x1A400] =	vst v63  }
0x2d: {  	s10 =	simm.s32 $0x400  }
0x2e: {  	[tilespmem:s28], [sflag:$0x1] =	stream.indirect.gather [hbm4b:s3+s11], $0x20, s10, s11, $0xb8;
	[tilespmem:$0x1A400] =	vst v63  }
0x2f: {  	s8 =	simm.s32 $0x480  }
0x30: {  	[tilespmem:s30], [sflag:$0x1] =	stream.indirect.gather [hbm4b:s3+s11], $0x20, s8, s11, $0xb8;
	[tilespmem:$0x1A400] =	vst v63  }
0x31: {  	s9 =	simm.s32 $0x500  }
0x32: {  	[tilespmem:s1], [sflag:$0x2] =	stream.indirect.gather [hbm4b:s3+s11], $0x20, s9, s11, $0xb8;
	[tilespmem:$0x1A400] =	vst v63  }
0x33: {  	s10 =	simm.s32 $0x580  }
0x34: {  	[tilespmem:s14], [sflag:$0x2] =	stream.indirect.gather [hbm4b:s3+s11], $0x20, s10, s11, $0xb8;
	[tilespmem:$0x1A400] =	vst v63  }
0x35: {  	s8 =	simm.s32 $0x600  }
0x36: {  	[tilespmem:s18], [sflag:$0x2] =	stream.indirect.gather [hbm4b:s3+s11], $0x20, s8, s11, $0xb8;
	[tilespmem:$0x1A400] =	vst v63  }
0x37: {  	s9 =	simm.s32 $0x680  }
0x38: {  	[tilespmem:s22], [sflag:$0x2] =	stream.indirect.gather [hbm4b:s3+s11], $0x20, s9, s11, $0xb8;
	[tilespmem:$0x1A400] =	vst v63  }
0x39: {  	s10 =	simm.s32 $0x700  }
0x3a: {  	[tilespmem:s26], [sflag:$0x2] =	stream.indirect.gather [hbm4b:s3+s11], $0x20, s10, s11, $0xb8;
	[tilespmem:$0x1A400] =	vst v63  }
0x3b: {  	s8 =	simm.s32 $0x780  }
0x3c: {  	[tilespmem:s31], [sflag:$0x2] =	stream.indirect.gather [hbm4b:s3+s11], $0x20, s8, s11, $0xb8;
	[tilespmem:$0x1A400] =	vst v63  }
0x3d: {  	s9 =	simm.s32 $0x800  }
0x3e: {  	[tilespmem:s16], [sflag:$0x2] =	stream.indirect.gather [hbm4b:s3+s11], $0x20, s9, s11, $0xb8;
	[tilespmem:$0x1A400] =	vst v63  }
0x3f: {  	s10 =	simm.s32 $0x880  }
0x40: {  	[tilespmem:s24], [sflag:$0x2] =	stream.indirect.gather [hbm4b:s3+s11], $0x20, s10, s11, $0xb8;
	[tilespmem:$0x1A400] =	vst v63  }
0x41: {  	s8 =	simm.s32 $0x900  }
0x42: {  	[tilespmem:s0], [sflag:$0x2] =	stream.indirect.gather [hbm4b:s3+s11], $0x20, s8, s11, $0xb8;
	[tilespmem:$0x1A400] =	vst v63  }
0x43: {  	s9 =	simm.s32 $0x980  }
0x44: {  	[tilespmem:s29], [sflag:$0x2] =	stream.indirect.gather [hbm4b:s3+s11], $0x20, s9, s11, $0xb8;
	[tilespmem:$0x1A400] =	vst v63  }
0x45: {  	_ =	swait.ge [sflag:s20], $0xA000  }
0x46: {  	[sflag:s20] =	ssyncset.done $0x0  }
0x47: {  	s10 =	rddreg [dreg:$0x7];
	[sflag:s20] =	ssyncadd.s32 $0xFFFF6000  }
0x48: {  	[hbm4b:s10+s2] =	stream.linear.scatter [tilespmem:s12], [sflag:$0x3], $0xA000, $0x38;
	[tilespmem:$0x1A400] =	vst v63  }
0x49: {  	_ =	swait.ge [sflag:s4], $0xA000  }
0x4a: {  	[sflag:s4] =	ssyncset.done $0x0  }
0x4b: {  	s8 =	simm.s32 $0xA00;
	[sflag:s4] =	ssyncadd.s32 $0xFFFF6000  }
0x4c: {  	[tilespmem:s12], [sflag:$0x1] =	stream.indirect.gather [hbm4b:s3+s11], $0x20, s8, s11, $0xb8;
	[tilespmem:$0x1A400] =	vst v63  }
0x4d: {  	s9 =	simm.s32 $0xA80  }
0x4e: {  	[tilespmem:s13], [sflag:$0x1] =	stream.indirect.gather [hbm4b:s3+s11], $0x20, s9, s11, $0xb8;
	[tilespmem:$0x1A400] =	vst v63  }
0x4f: {  	s10 =	simm.s32 $0xB00  }
0x50: {  	[tilespmem:s15], [sflag:$0x1] =	stream.indirect.gather [hbm4b:s3+s11], $0x20, s10, s11, $0xb8;
	[tilespmem:$0x1A400] =	vst v63  }
0x51: {  	s8 =	simm.s32 $0xB80  }
0x52: {  	[tilespmem:s17], [sflag:$0x1] =	stream.indirect.gather [hbm4b:s3+s11], $0x20, s8, s11, $0xb8;
	[tilespmem:$0x1A400] =	vst v63  }
0x53: {  	s9 =	simm.s32 $0xC00  }
0x54: {  	[tilespmem:s19], [sflag:$0x1] =	stream.indirect.gather [hbm4b:s3+s11], $0x20, s9, s11, $0xb8;
	[tilespmem:$0x1A400] =	vst v63  }
0x55: {  	s10 =	simm.s32 $0xC80  }
0x56: {  	[tilespmem:s21], [sflag:$0x1] =	stream.indirect.gather [hbm4b:s3+s11], $0x20, s10, s11, $0xb8;
	[tilespmem:$0x1A400] =	vst v63  }
0x57: {  	s8 =	simm.s32 $0xD00  }
0x58: {  	[tilespmem:s23], [sflag:$0x1] =	stream.indirect.gather [hbm4b:s3+s11], $0x20, s8, s11, $0xb8;
	[tilespmem:$0x1A400] =	vst v63  }
0x59: {  	s9 =	simm.s32 $0xD80  }
0x5a: {  	[tilespmem:s25], [sflag:$0x1] =	stream.indirect.gather [hbm4b:s3+s11], $0x20, s9, s11, $0xb8;
	[tilespmem:$0x1A400] =	vst v63  }
0x5b: {  	s10 =	simm.s32 $0xE00  }
0x5c: {  	[tilespmem:s28], [sflag:$0x1] =	stream.indirect.gather [hbm4b:s3+s11], $0x20, s10, s11, $0xb8;
	[tilespmem:$0x1A400] =	vst v63  }
0x5d: {  	s8 =	simm.s32 $0xE80  }
0x5e: {  	[tilespmem:s30], [sflag:$0x1] =	stream.indirect.gather [hbm4b:s3+s11], $0x20, s8, s11, $0xb8;
	[tilespmem:$0x1A400] =	vst v63  }
0x5f: {  	_ =	swait.ge [sflag:s5], $0xA000  }
0x60: {  	[sflag:s5] =	ssyncset.done $0x0  }
0x61: {  	s9 =	rddreg [dreg:$0x8];
	[sflag:s5] =	ssyncadd.s32 $0xFFFF6000  }
0x62: {  	[hbm4b:s9+s2] =	stream.linear.scatter [tilespmem:s1], [sflag:$0x4], $0xA000, $0x38;
	[tilespmem:$0x1A400] =	vst v63  }
0x63: {  	_ =	swait.ge [sflag:s7], $0xA000  }
0x64: {  	[sflag:s7] =	ssyncset.done $0x0  }
0x65: {  	s10 =	simm.s32 $0xF00;
	[sflag:s7] =	ssyncadd.s32 $0xFFFF6000  }
0x66: {  	[tilespmem:s1], [sflag:$0x2] =	stream.indirect.gather [hbm4b:s3+s11], $0x20, s10, s11, $0xb8;
	[tilespmem:$0x1A400] =	vst v63  }
0x67: {  	s8 =	simm.s32 $0xF80  }
0x68: {  	[tilespmem:s14], [sflag:$0x2] =	stream.indirect.gather [hbm4b:s3+s11], $0x20, s8, s11, $0xb8;
	[tilespmem:$0x1A400] =	vst v63  }
0x69: {  	s9 =	simm.s32 $0x1000  }
0x6a: {  	[tilespmem:s18], [sflag:$0x2] =	stream.indirect.gather [hbm4b:s3+s11], $0x20, s9, s11, $0xb8;
	[tilespmem:$0x1A400] =	vst v63  }
0x6b: {  	s10 =	simm.s32 $0x1080  }
0x6c: {  	[tilespmem:s22], [sflag:$0x2] =	stream.indirect.gather [hbm4b:s3+s11], $0x20, s10, s11, $0xb8;
	[tilespmem:$0x1A400] =	vst v63  }
0x6d: {  	s8 =	simm.s32 $0x1100  }
0x6e: {  	[tilespmem:s26], [sflag:$0x2] =	stream.indirect.gather [hbm4b:s3+s11], $0x20, s8, s11, $0xb8;
	[tilespmem:$0x1A400] =	vst v63  }
0x6f: {  	s9 =	simm.s32 $0x1180  }
0x70: {  	[tilespmem:s31], [sflag:$0x2] =	stream.indirect.gather [hbm4b:s3+s11], $0x20, s9, s11, $0xb8;
	[tilespmem:$0x1A400] =	vst v63  }
0x71: {  	s10 =	simm.s32 $0x1200  }
0x72: {  	[tilespmem:s16], [sflag:$0x2] =	stream.indirect.gather [hbm4b:s3+s11], $0x20, s10, s11, $0xb8;
	[tilespmem:$0x1A400] =	vst v63  }
0x73: {  	s8 =	simm.s32 $0x1280  }
0x74: {  	[tilespmem:s24], [sflag:$0x2] =	stream.indirect.gather [hbm4b:s3+s11], $0x20, s8, s11, $0xb8;
	[tilespmem:$0x1A400] =	vst v63  }
0x75: {  	s9 =	simm.s32 $0x1300  }
0x76: {  	[tilespmem:s0], [sflag:$0x2] =	stream.indirect.gather [hbm4b:s3+s11], $0x20, s9, s11, $0xb8;
	[tilespmem:$0x1A400] =	vst v63  }
0x77: {  	s10 =	simm.s32 $0x1380  }
0x78: {  	[tilespmem:s29], [sflag:$0x2] =	stream.indirect.gather [hbm4b:s3+s11], $0x20, s10, s11, $0xb8;
	[tilespmem:$0x1A400] =	vst v63  }
0x79: {  	_ =	swait.ge [sflag:s20], $0xA000  }
0x7a: {  	s8 =	rddreg [dreg:$0x3];
	[sflag:s20] =	ssyncset.done $0x0  }
0x7b: {  	[sflag:s20] =	ssyncadd.s32 $0xFFFF6000;
	s6 =	sadd.s32 $0x0, s8  }
0x7c: {  	[hbm4b:s6+s2] =	stream.linear.scatter [tilespmem:s12], [sflag:$0x3], $0xA000, $0x38;
	[tilespmem:$0x1A400] =	vst v63  }
0x7d: {  	_ =	swait.ge [sflag:s4], $0xA000  }
0x7e: {  	[sflag:s4] =	ssyncset.done $0x0  }
0x7f: {  	s9 =	simm.s32 $0x1400;
	[sflag:s4] =	ssyncadd.s32 $0xFFFF6000  }
0x80: {  	[tilespmem:s12], [sflag:$0x1] =	stream.indirect.gather [hbm4b:s3+s11], $0x20, s9, s11, $0xb8;
	[tilespmem:$0x1A400] =	vst v63  }
0x81: {  	s10 =	simm.s32 $0x1480  }
0x82: {  	[tilespmem:s13], [sflag:$0x1] =	stream.indirect.gather [hbm4b:s3+s11], $0x20, s10, s11, $0xb8;
	[tilespmem:$0x1A400] =	vst v63  }
0x83: {  	s8 =	simm.s32 $0x1500  }
0x84: {  	[tilespmem:s15], [sflag:$0x1] =	stream.indirect.gather [hbm4b:s3+s11], $0x20, s8, s11, $0xb8;
	[tilespmem:$0x1A400] =	vst v63  }
0x85: {  	s9 =	simm.s32 $0x1580  }
0x86: {  	[tilespmem:s17], [sflag:$0x1] =	stream.indirect.gather [hbm4b:s3+s11], $0x20, s9, s11, $0xb8;
	[tilespmem:$0x1A400] =	vst v63  }
0x87: {  	s10 =	simm.s32 $0x1600  }
0x88: {  	[tilespmem:s19], [sflag:$0x1] =	stream.indirect.gather [hbm4b:s3+s11], $0x20, s10, s11, $0xb8;
	[tilespmem:$0x1A400] =	vst v63  }
0x89: {  	s8 =	simm.s32 $0x1680  }
0x8a: {  	[tilespmem:s21], [sflag:$0x1] =	stream.indirect.gather [hbm4b:s3+s11], $0x20, s8, s11, $0xb8;
	[tilespmem:$0x1A400] =	vst v63  }
0x8b: {  	s9 =	simm.s32 $0x1700  }
0x8c: {  	[tilespmem:s23], [sflag:$0x1] =	stream.indirect.gather [hbm4b:s3+s11], $0x20, s9, s11, $0xb8;
	[tilespmem:$0x1A400] =	vst v63  }
0x8d: {  	s10 =	simm.s32 $0x1780  }
0x8e: {  	[tilespmem:s25], [sflag:$0x1] =	stream.indirect.gather [hbm4b:s3+s11], $0x20, s10, s11, $0xb8;
	[tilespmem:$0x1A400] =	vst v63  }
0x8f: {  	s8 =	simm.s32 $0x1800  }
0x90: {  	[tilespmem:s28], [sflag:$0x1] =	stream.indirect.gather [hbm4b:s3+s11], $0x20, s8, s11, $0xb8;
	[tilespmem:$0x1A400] =	vst v63  }
0x91: {  	s9 =	simm.s32 $0x1880  }
0x92: {  	[tilespmem:s30], [sflag:$0x1] =	stream.indirect.gather [hbm4b:s3+s11], $0x20, s9, s11, $0xb8;
	[tilespmem:$0x1A400] =	vst v63  }
0x93: {  	_ =	swait.ge [sflag:s5], $0xA000  }
0x94: {  	s10 =	rddreg [dreg:$0x4];
	[sflag:s5] =	ssyncset.done $0x0  }
0x95: {  	s9 =	simm.s32 $0x2800;
	[sflag:s5] =	ssyncadd.s32 $0xFFFF6000;
	s6 =	sadd.s32 $0x0, s10  }
.LBB2_2:
0x96: {  	[hbm4b:s6+s2] =	stream.linear.scatter [tilespmem:s1], [sflag:$0x4], $0xA000, $0x38;
	[tilespmem:$0x1A400] =	vst v63  }
0x97: {  	s6 =	smov.u32 s9;
	_ =	swait.ge [sflag:s7], $0xA000  }
0x98: {  	s10 =	sshra.s32 s6, $0x2;
	[sflag:s7] =	ssyncset.done $0x0  }
0x99: {  	s8 =	sadd.s32 $0xF00, s10;
	[sflag:s7] =	ssyncadd.s32 $0xFFFF6000  }
0x9a: {  	[tilespmem:s1], [sflag:$0x2] =	stream.indirect.gather [hbm4b:s3+s11], $0x20, s8, s11, $0xb8;
	[tilespmem:$0x1A400] =	vst v63  }
0x9b: {  	s8 =	sadd.s32 $0xF80, s10  }
0x9c: {  	[tilespmem:s14], [sflag:$0x2] =	stream.indirect.gather [hbm4b:s3+s11], $0x20, s8, s11, $0xb8;
	[tilespmem:$0x1A400] =	vst v63  }
0x9d: {  	s8 =	sadd.s32 $0x1000, s10  }
0x9e: {  	[tilespmem:s18], [sflag:$0x2] =	stream.indirect.gather [hbm4b:s3+s11], $0x20, s8, s11, $0xb8;
	[tilespmem:$0x1A400] =	vst v63  }
0x9f: {  	s8 =	sadd.s32 $0x1080, s10  }
0xa0: {  	[tilespmem:s22], [sflag:$0x2] =	stream.indirect.gather [hbm4b:s3+s11], $0x20, s8, s11, $0xb8;
	[tilespmem:$0x1A400] =	vst v63  }
0xa1: {  	s8 =	sadd.s32 $0x1100, s10  }
0xa2: {  	[tilespmem:s26], [sflag:$0x2] =	stream.indirect.gather [hbm4b:s3+s11], $0x20, s8, s11, $0xb8;
	[tilespmem:$0x1A400] =	vst v63  }
0xa3: {  	s8 =	sadd.s32 $0x1180, s10  }
0xa4: {  	[tilespmem:s31], [sflag:$0x2] =	stream.indirect.gather [hbm4b:s3+s11], $0x20, s8, s11, $0xb8;
	[tilespmem:$0x1A400] =	vst v63  }
0xa5: {  	s8 =	sadd.s32 $0x1200, s10  }
0xa6: {  	[tilespmem:s16], [sflag:$0x2] =	stream.indirect.gather [hbm4b:s3+s11], $0x20, s8, s11, $0xb8;
	[tilespmem:$0x1A400] =	vst v63  }
0xa7: {  	s8 =	sadd.s32 $0x1280, s10  }
0xa8: {  	[tilespmem:s24], [sflag:$0x2] =	stream.indirect.gather [hbm4b:s3+s11], $0x20, s8, s11, $0xb8;
	[tilespmem:$0x1A400] =	vst v63  }
0xa9: {  	s8 =	sadd.s32 $0x1300, s10  }
0xaa: {  	[tilespmem:s0], [sflag:$0x2] =	stream.indirect.gather [hbm4b:s3+s11], $0x20, s8, s11, $0xb8;
	[tilespmem:$0x1A400] =	vst v63  }
0xab: {  	s8 =	sadd.s32 $0x1380, s10  }
0xac: {  	[tilespmem:s29], [sflag:$0x2] =	stream.indirect.gather [hbm4b:s3+s11], $0x20, s8, s11, $0xb8;
	[tilespmem:$0x1A400] =	vst v63  }
0xad: {  	_ =	swait.ge [sflag:s20], $0xA000  }
0xae: {  	s8 =	rddreg [dreg:$0x3];
	[sflag:s20] =	ssyncset.done $0x0  }
0xaf: {  	[sflag:s20] =	ssyncadd.s32 $0xFFFF6000;
	s8 =	sadd.s32 s6, s8  }
0xb0: {  	[hbm4b:s8+s2] =	stream.linear.scatter [tilespmem:s12], [sflag:$0x3], $0xA000, $0x38;
	[tilespmem:$0x1A400] =	vst v63  }
0xb1: {  	_ =	swait.ge [sflag:s4], $0xA000  }
0xb2: {  	[sflag:s4] =	ssyncset.done $0x0  }
0xb3: {  	s8 =	sadd.s32 $0x1400, s10;
	[sflag:s4] =	ssyncadd.s32 $0xFFFF6000  }
0xb4: {  	[tilespmem:s12], [sflag:$0x1] =	stream.indirect.gather [hbm4b:s3+s11], $0x20, s8, s11, $0xb8;
	[tilespmem:$0x1A400] =	vst v63  }
0xb5: {  	s8 =	sadd.s32 $0x1480, s10  }
0xb6: {  	[tilespmem:s13], [sflag:$0x1] =	stream.indirect.gather [hbm4b:s3+s11], $0x20, s8, s11, $0xb8;
	[tilespmem:$0x1A400] =	vst v63  }
0xb7: {  	s8 =	sadd.s32 $0x1500, s10  }
0xb8: {  	[tilespmem:s15], [sflag:$0x1] =	stream.indirect.gather [hbm4b:s3+s11], $0x20, s8, s11, $0xb8;
	[tilespmem:$0x1A400] =	vst v63  }
0xb9: {  	s8 =	sadd.s32 $0x1580, s10  }
0xba: {  	[tilespmem:s17], [sflag:$0x1] =	stream.indirect.gather [hbm4b:s3+s11], $0x20, s8, s11, $0xb8;
	[tilespmem:$0x1A400] =	vst v63  }
0xbb: {  	s8 =	sadd.s32 $0x1600, s10  }
0xbc: {  	[tilespmem:s19], [sflag:$0x1] =	stream.indirect.gather [hbm4b:s3+s11], $0x20, s8, s11, $0xb8;
	[tilespmem:$0x1A400] =	vst v63  }
0xbd: {  	s8 =	sadd.s32 $0x1680, s10  }
0xbe: {  	[tilespmem:s21], [sflag:$0x1] =	stream.indirect.gather [hbm4b:s3+s11], $0x20, s8, s11, $0xb8;
	[tilespmem:$0x1A400] =	vst v63  }
0xbf: {  	s8 =	sadd.s32 $0x1700, s10  }
0xc0: {  	[tilespmem:s23], [sflag:$0x1] =	stream.indirect.gather [hbm4b:s3+s11], $0x20, s8, s11, $0xb8;
	[tilespmem:$0x1A400] =	vst v63  }
0xc1: {  	s8 =	sadd.s32 $0x1780, s10  }
0xc2: {  	[tilespmem:s25], [sflag:$0x1] =	stream.indirect.gather [hbm4b:s3+s11], $0x20, s8, s11, $0xb8;
	[tilespmem:$0x1A400] =	vst v63  }
0xc3: {  	p0 =	sne.s32 s9, $0x11800;
	s8 =	sadd.s32 $0x1800, s10  }
0xc4: {  	[tilespmem:s28], [sflag:$0x1] =	stream.indirect.gather [hbm4b:s3+s11], $0x20, s8, s11, $0xb8;
	[tilespmem:$0x1A400] =	vst v63  }
.Ltmp0:
0xc5: {  	s10 =	sadd.s32 $0x1880, s10;
	(pc) =	sbr.rel @p0 .LBB2_2-.Ltmp0, $4  }
0xc6: {  	[tilespmem:s30], [sflag:$0x1] =	stream.indirect.gather [hbm4b:s3+s11], $0x20, s10, s11, $0xb8;
	[tilespmem:$0x1A400] =	vst v63  }
0xc7: {  	_ =	swait.ge [sflag:s5], $0xA000  }
0xc8: {  	[sflag:s5] =	ssyncset.done $0x0;
	s10 =	rddreg [dreg:$0x4]  }
0xc9: {  	s9 =	sadd.s32 $0x2800, s9;
	[sflag:s5] =	ssyncadd.s32 $0xFFFF6000;
	s6 =	sadd.s32 s6, s10  }
0xca: {  	[hbm4b:s6+s2] =	stream.linear.scatter [tilespmem:s1], [sflag:$0x4], $0xA000, $0x38;
	[tilespmem:$0x1A400] =	vst v63  }
0xcb: {  	_ =	swait.ge [sflag:s7], $0xA000  }
0xcc: {  	[sflag:s7] =	ssyncset.done $0x0  }
0xcd: {  	s10 =	simm.s32 $0x5F00;
	[sflag:s7] =	ssyncadd.s32 $0xFFFF6000  }
0xce: {  	[tilespmem:s1], [sflag:$0x2] =	stream.indirect.gather [hbm4b:s3+s11], $0x20, s10, s11, $0xb8;
	[tilespmem:$0x1A400] =	vst v63  }
0xcf: {  	s8 =	simm.s32 $0x5F80  }
0xd0: {  	[tilespmem:s14], [sflag:$0x2] =	stream.indirect.gather [hbm4b:s3+s11], $0x20, s8, s11, $0xb8;
	[tilespmem:$0x1A400] =	vst v63  }
0xd1: {  	s9 =	simm.s32 $0x6000  }
0xd2: {  	[tilespmem:s18], [sflag:$0x2] =	stream.indirect.gather [hbm4b:s3+s11], $0x20, s9, s11, $0xb8;
	[tilespmem:$0x1A400] =	vst v63  }
0xd3: {  	s10 =	simm.s32 $0x6080  }
0xd4: {  	[tilespmem:s22], [sflag:$0x2] =	stream.indirect.gather [hbm4b:s3+s11], $0x20, s10, s11, $0xb8;
	[tilespmem:$0x1A400] =	vst v63  }
0xd5: {  	s8 =	simm.s32 $0x6100  }
0xd6: {  	[tilespmem:s26], [sflag:$0x2] =	stream.indirect.gather [hbm4b:s3+s11], $0x20, s8, s11, $0xb8;
	[tilespmem:$0x1A400] =	vst v63  }
0xd7: {  	s9 =	simm.s32 $0x6180  }
0xd8: {  	[tilespmem:s31], [sflag:$0x2] =	stream.indirect.gather [hbm4b:s3+s11], $0x20, s9, s11, $0xb8;
	[tilespmem:$0x1A400] =	vst v63  }
0xd9: {  	s10 =	simm.s32 $0x6200  }
0xda: {  	[tilespmem:s16], [sflag:$0x2] =	stream.indirect.gather [hbm4b:s3+s11], $0x20, s10, s11, $0xb8;
	[tilespmem:$0x1A400] =	vst v63  }
0xdb: {  	s8 =	simm.s32 $0x6280  }
0xdc: {  	[tilespmem:s24], [sflag:$0x2] =	stream.indirect.gather [hbm4b:s3+s11], $0x20, s8, s11, $0xb8;
	[tilespmem:$0x1A400] =	vst v63  }
0xdd: {  	s9 =	simm.s32 $0x6300  }
0xde: {  	[tilespmem:s0], [sflag:$0x2] =	stream.indirect.gather [hbm4b:s3+s11], $0x20, s9, s11, $0xb8;
	[tilespmem:$0x1A400] =	vst v63  }
0xdf: {  	s10 =	simm.s32 $0x6380  }
0xe0: {  	[tilespmem:s29], [sflag:$0x2] =	stream.indirect.gather [hbm4b:s3+s11], $0x20, s10, s11, $0xb8;
	[tilespmem:$0x1A400] =	vst v63  }
0xe1: {  	_ =	swait.ge [sflag:s20], $0xA000  }
0xe2: {  	[sflag:s20] =	ssyncset.done $0x0  }
0xe3: {  	s8 =	rddreg [dreg:$0x9];
	[sflag:s20] =	ssyncadd.s32 $0xFFFF6000  }
0xe4: {  	[hbm4b:s8+s2] =	stream.linear.scatter [tilespmem:s12], [sflag:$0x3], $0xA000, $0x38;
	[tilespmem:$0x1A400] =	vst v63  }
0xe5: {  	_ =	swait.ge [sflag:s5], $0xA000  }
0xe6: {  	[sflag:s5] =	ssyncset.done $0x0  }
0xe7: {  	s9 =	rddreg [dreg:$0xa];
	[sflag:s5] =	ssyncadd.s32 $0xFFFF6000  }
0xe8: {  	[hbm4b:s9+s2] =	stream.linear.scatter [tilespmem:s1], [sflag:$0x4], $0xA000, $0x38;
	[tilespmem:$0x1A400] =	vst v63  }
0xe9: {  	_ =	swait.ge [sflag:s4], $0xA000  }
0xea: {  	[sflag:s4] =	ssyncset.done $0x0  }
0xeb: {  	[sflag:s4] =	ssyncadd.s32 $0xFFFF6000  }
0xec: {  	_ =	swait.ge [sflag:s7], $0xA000  }
0xed: {  	s8 =	rddreg [dreg:$0xb]  }
0xee: {  	s10 =	rddreg [dreg:$0x6];
	s8 =	sadd.s32 $0x1, s8  }
0xef: {  	p0 =	sne.s32 s8, s10  }
.Ltmp1:
0xf0: {  	_ = 	snop;
	(pc) =	sbr.rel @p0 .LBB2_1-.Ltmp1, $3  }
0xf1: {  	_ =	sdelay $0x1  }
0xf2: {  	[sflag:s7] =	ssyncset.done $0x0  }
0xf3: {  	[sflag:s7] =	ssyncadd.s32 $0xFFFF6000  }
0xf4: {  	_ =	sfence.sel $0x180000  }
0xf5: {  	[bflag:$0x0] =	sbarrier.arrive $0xFFFF  }
0xf6: {  	_ =	strace $0x90000047  }
0xf7: {  	s0 =	stileid.u32;
	[bflag:$0x2] =	sbarrier.arrive $0xFFFF  }
0xf8: {  	p0 =	sne.s32 s0, $0x0;
	s0 =	rddreg [dreg:$0x2]  }
0xf9: {  	s0 =	sadd.s32 @!p0 $0x100000, s0  }
0xfa: {  	[sflag:s0] =	ssyncadd.tile.s32 @!p0 $0x1;
	_ =	shalt  }
.Lfunc_end2:
_tile_overlayer_lowered:
.L_overlay_start_2:
0xfb: {  	(tag) =	ssettag $0x2  }
0xfc: {  	s0 =	rddreg [dreg:$0x0];
	s2 =	stileid.u32  }
0xfd: {  	s1 =	rddreg [dreg:$0x1];
	p0 =	sne.s32 s2, $0x0  }
0xfe: {  	s3 =	rddreg [dreg:$0x2];
	[bflag:$0x3] =	sbarrier.arrive $0xFFFF;
	s2 =	simm.s32 @!p0 $0x1C05  }
0xff: {  	[timem:s3], [sflag:s2] =	dma.local @!p0 [hbm:s0], s1  }
0x100: {  	s0 =	simm.s32 @!p0 $0x5  }
0x101: {  	_ =	swait.ge @!p0 [sflag:s0], s1  }
0x102: {  	s1 =	ssub.s32 @!p0 $0x0, s1;
	[sflag:s0] =	ssyncset.done @!p0 $0x0  }
0x103: {  	[sflag:s0] =	ssyncadd.s32 @!p0 s1  }
0x104: {  	[bflag:$0x3] =	sbarrier.arrive $0xFFFF  }
0x105: {  	_ =	shalt  }

// kernel: sparse-core-data-format-call.cloned.1.call-start
scs
called_computation_lowered:
.L_overlay_start_0:
0x0: {  	s2 =	sld [smem:$0x3FD9]  }
0x1: {  	s3 =	sld [smem:$0x3FFE];
	_ =	sdelay $0x1  }
0x2: {  	s1 =	srdreg.scid  }
0x3: {  	s0 =	sand.u32 $0x1, s1  }
0x4: {  	s18 =	sshll.u32 s0, $0xA;
	s2 =	sadd.s32 s3, s2  }
0x5: {  	s2 =	sadd.s32 s2, s18  }
0x6: {  	[smem:$0x3FC6] =	sst s2  }
0x7: {  	_ = 	snop  }
0x8: {  	s2 =	sld [smem:$0x3FD0];
	(tm) =	ssettm $0x1  }
0x9: {  	s19 =	sld [smem:$0x3FFB];
	_ =	sdelay $0x3  }
0xa: {  	_ =	strace s19  }
0xb: {  	s3 =	sld [smem:$0x3FFC];
	_ =	sdelay $0x3  }
0xc: {  	_ =	strace s3  }
0xd: {  	s3 =	sld [smem:$0x3FFD];
	_ =	sdelay $0x3  }
0xe: {  	_ =	strace s3  }
0xf: {  	_ =	strace $0x8FFFFFFF  }
0x10: {  	s20 =	sld [smem:$0x3FDB];
	_ =	sdelay $0x1  }
0x11: {  	s4 =	simm.s32 $_scs_section_size  }
0x12: {  	s5 =	simm.s32 $_size__tile_overlayer_lowered;
	s6 =	simm.s32 $_tile_overlayer_lowered  }
0x13: {  	s23 =	simm.s32 $0x1BFF;
	s22 =	sshll.u32 s6, $0x1;
	s3 =	sadd.s32 s4, s20  }
0x14: {  	s7 =	simm.s32 $0x0;
	s21 =	sshll.u32 s5, $0x1;
	s5 =	sadd.s32 s22, s3  }
0x15: {  	[timem:s7], [sflag:s23] =	dma.local [hbm:s5], s21  }
0x16: {  	_ =	swait.ge [sflag:s23], s21  }
0x17: {  	s4 =	ssub.s32 $0x0, s21;
	[sflag:s23] =	ssyncset.done $0x0  }
0x18: {  	[sflag:s23] =	ssyncadd.s32 s4;
	_ =	sdelay $0x1  }
0x19: {  	s24 =	simm.s32 $0x1B8B  }
0x1a: {  	_ =	swait.ge [sflag:s24], $0x1  }
0x1b: {  	[sflag:s24] =	ssyncset.done $0x0  }
0x1c: {  	s26 =	simm.s32 $0x1B8E;
	s25 =	sld [smem:$0x3FFE];
	[sflag:s24] =	ssyncadd.s32 $0xFFFFFFFF  }
0x1d: {  	s27 =	simm.s32 $execute0_lowered;
	[smem:$0x3FD2] =	sst s26  }
0x1e: {  	s5 =	sshll.u32 s27, $0x1;
	_ =	strace $0x80000049;
	[dreg:$0x1] =	wrdreg $0xFFFFFFFF  }
0x1f: {  	s28 =	simm.s32 $_size_execute0_lowered;
	s3 =	sadd.s32 s3, s5;
	[dreg:$0x0] =	wrdreg $0x0  }
0x20: {  	s5 =	sshll.u32 s28, $0x1;
	[dreg:$0x2] =	wrdreg s3  }
0x21: {  	[dreg:$0x3] =	wrdreg s5  }
0x22: {  	[dreg:$0x4] =	wrdreg $0xC0  }
0x23: {  	_ =	task [dreg:s7], $0x5FFFF  }
0x24: {  	[dreg:$0x1] =	wrdreg $0xFFFFFFFF  }
0x25: {  	[dreg:$0x0] =	wrdreg $0x60  }
0x26: {  	[dreg:$0x2] =	wrdreg s25  }
0x27: {  	[dreg:$0x3] =	wrdreg s2  }
0x28: {  	[dreg:$0x4] =	wrdreg $0x9  }
0x29: {  	_ =	task.clear_ibuf [dreg:s7], $0x5FFFF;
	_ =	strace $0x90000049  }
0x2a: {  	s29 =	simm.s32 $0x9;
	_ =	strace $0x8000004B  }
0x2b: {  	_ =	swait.ge [sflag:s29], $0x1  }
0x2c: {  	[sflag:s29] =	ssyncadd.s32 $0xFFFFFFFF  }
0x2d: {  	_ =	strace $0x9000004B  }
0x2e: {  	_ =	sfence  }
0x2f: {  	s30 =	sld [smem:$0x0];
	_ =	sdelay $0x2  }
0x30: {  	s31 =	sshll.u32 s1, $0xD;
	s1 =	sshrl.u32 s1, $0x2  }
0x31: {  	s3 =	sand.u32 $0x4000, s31;
	s1 =	sadd.s32 s1, s30  }
0x32: {  	s0 =	sor.u32 s3, s0;
	s1 =	sshll.u32 s1, $0x11  }
0x33: {  	s0 =	sor.u32 s1, s0  }
0x34: {  	s0 =	sadd.s32 $0x8F2B, s0  }
0x35: {  	[sflag:s0] =	ssyncadd.remote.s32 $0x1  }
0x36: {  	_ =	sfence.sel $0xFFFF  }
0x37: {  	[dreg:$0x0] =	wrdreg $0xFFFFFFFF;
	(pc) =	sbr.abs _section_cstart, $3  }
0x38: {  	[dreg:$0x1] =	wrdreg $0xFFFFFFFF  }
0x39: {  	_ =	task.clear_ibuf [dreg:s7], $0x2FFFF;
	_ =	strace $0x9FFFFFFF  }
0x3a: {  	(tm) =	ssettm $0x7FFFFFFF  }
0x3b: {  	_ =	shalt  }
tec
execute0_lowered:
.L_overlay_start_1:
0x0: {  	(tag) =	ssettag $0x1  }
0x1: {  	s0 =	srdreg.scid  }
0x2: {  	s1 =	sshll.u32 s0, $0x4  }
0x3: {  	s0 =	stileid.u32;
	s1 =	sand.u32 $0x10, s1  }
0x4: {  	s1 =	sor.u32 s0, s1  }
0x5: {  	s6 =	rddreg [dreg:$0x0];
	s4 =	simm.s32 $0x1;
	s2 =	sshll.u32 s1, $0x7  }
0x6: {  	s7 =	simm.s32 $0x2;
	s12 =	simm.s32 $0x0;
	s1 =	ssub.s32 $0x4000, s2  }
0x7: {  	s8 =	simm.s32 $0x20000;
	s13 =	simm.s32 $0x0;
	s3 =	sand.u32 $0xF80, s1  }
0x8: {  	s9 =	simm.s32 $0x0;
	s5 =	sshrl.u32 s1, $0xC;
	p0 =	sne.s32 s3, $0x0  }
.Ltmp0:
0x9: {  	s1 =	rddreg [dreg:$0x2];
	s4 =	simm.s32 @!p0 $0x0;
	(pc) =	sbr.rel .LBB1_1-.Ltmp0, $4  }
0xa: {  	s11 =	simm.s32 $0x0;
	s3 =	rddreg [dreg:$0x1];
	s5 =	sadd.s32 s4, s5  }
0xb: {  	_ =	strace $0x8000004A;
	s4 =	simm.s32 $0x1;
	s5 =	smul.u32 $0x32, s5  }
0xc: {  	s6 =	sadd.s32 $0xA00, s6;
	s10 =	smov.u32 s2;
	[sflag:s4] =	ssyncpa.u1 $0x0  }
0xd: {  	p0 =	por $0x0, $0x0;
	[sflag:s7] =	ssyncpa.u1 $0x0;
	s7 =	sor.u32 $0x1, s5  }
.LBB1_4:
0xe: {  	s16 =	sshll.u32 s13, $0x3;
	s17 =	sand.u32 $0x78, s13  }
0xf: {  	s30 =	sand.u32 $0xF800, s13;
	s12 =	sshll.u32 s12, $0x10;
	s16 =	sand.u32 $0x3C00, s16  }
0x10: {  	s31 =	sand.u32 $0x7, s13;
	s16 =	sor.u32 s17, s16;
	s17 =	sadd.s32 s3, s30  }
0x11: {  	s13 =	sshll.u32 s31, $0x12;
	s16 =	sshrl.u32 s16, $0x3;
	s12 =	sadd.s32 s12, s17  }
0x12: {  	[tilespmem:s15+$0x0 ss:$0x81] =	vst.msk $0xffff, v0;
	s13 =	sor.u32 $0x400, s13;
	s12 =	sadd.s32 s16, s12  }
0x13: {  	[hbm4b:s12+s13] =	stream.strided.scatter [tilespmem:s14], [sflag:$0x2], $0x1000, s8, s13, $0x20;
	[tilespmem:$0x4040] =	vst v63  }
.LBB1_5:
0x14: {  	s14 =	sadd.s32 $0x1, s9  }
0x15: {  	s12 =	sadd.s32 $0x1000, s10;
	s16 =	smov.u32 s10;
	p2 =	sgt.s32 s14, $0x31  }
0x16: {  	s16 =	smov.u32 @p2 s12  }
0x17: {  	s14 =	simm.s32 @p2 $0x0;
	p2 =	sgt.s32 s16, $0x3FFF  }
0x18: {  	s16 =	smov.u32 @p2 s2;
	p2 =	sne.s32 s11, s7  }
.Ltmp1:
0x19: {  	p1 =	slt.u32 s11, $0x2;
	(pc) =	sbr.rel @!p2 .LBB1_6-.Ltmp1, $4  }
0x1a: {  	s15 =	simm.s32 @!p1 $0x2  }
0x1b: {  	s13 =	smov.u32 s10;
	p0 =	por !p0, !p0;
	_ =	swait.ge @!p1 [sflag:s15], $0x1000  }
0x1c: {  	s12 =	smov.u32 s9;
	[sflag:s15] =	ssyncset.done @!p1 $0x0;
	s9 =	smov.u32 s14  }
0x1d: {  	s11 =	sadd.s32 $0x1, s11;
	[sflag:s15] =	ssyncadd.s32 @!p1 $0xFFFFF000;
	s10 =	smov.u32 s16  }
.LBB1_1:
0x1e: {  	p1 =	sge.u32 s11, s5  }
0x1f: {  	s14 =	sand.u32 @!p1 $0x1FFFFFF, s9  }
0x20: {  	s15 =	smulhi.u32 @!p1 $0x4924925, s14;
	_ =	sdelay $0x1  }
0x21: {  	s15 =	smul.u32 @!p1 $0x38, s15  }
0x22: {  	s16 =	sxor.u32 @!p1 $0xFFFFFFFF, s11;
	s17 =	smul.u32 @!p1 $0x380, s10  }
0x23: {  	s31 =	sadd.s32 $0xFFFFFFFF, s11;
	s16 =	sshll.u32 @!p1 s16, $0xC;
	s14 =	ssub.s32 @!p1 s14, s15  }
0x24: {  	s15 =	sand.u32 @!p1 $0x1000, s16;
	s16 =	sadd.s32 @!p1 s6, s17;
	s14 =	sshll.u32 @!p1 s14, $0x4  }
0x25: {  	s17 =	simm.s32 @!p1 $0x1C00;
	s14 =	sadd.s32 @!p1 s14, s16;
	s16 =	simm.s32 @!p1 $0x20  }
0x26: {  	[tilespmem:s15], [sflag:$0x1] =	stream.strided.gather @!p1 [hbm4b:s14+s16], $0x1000, s17, s16, $0x38;
	[tilespmem:$0x4040] =	vst v63  }
0x27: {  	p1 =	sge.u32 s31, s5  }
.Ltmp2:
0x28: {  	_ = 	snop;
	(pc) =	sbr.rel @p1 .LBB1_5-.Ltmp2, $1  }
0x29: {  	_ =	sdelay $0x3  }
0x2a: {  	s14 =	simm.s32 $0x1  }
0x2b: {  	_ =	swait.ge [sflag:s4], $0x1000;
	s14 =	simm.s32 @!p0 $0x0  }
0x2c: {  	[sflag:s4] =	ssyncset.done $0x0;
	s15 =	sshll.u32 s14, $0xC  }
0x2d: {  	[sflag:s4] =	ssyncadd.s32 $0xFFFFF000;
	s18 =	sor.u32 $0x10, s15  }
0x2e: {  	s14 =	smul.u32 $0x4080, s14;
	v1 =	vld [tilespmem:s18+$0x0]  }
0x2f: {  	s30 =	sand.u32 $0x1, s11;
	v0 =	vld [tilespmem:s18+$0xFFFFFFF0]  }
0x30: {  	s15 =	smul.u32 $0x4080, s30;
	s14 =	sshrl.u32 s14, $0x2  }
0x31: {  	s16 =	sor.u32 $0x2000, s14  }
0x32: {  	s31 =	sshrl.u32 s15, $0x2;
	s15 =	sadd.s32 $0x0, s16  }
0x33: {  	s17 =	simm.s32 $0x4;
	s18 =	sadd.s32 $0x20, s18;
	s14 =	sor.u32 $0x2000, s31;
	[tilespmem:s15+$0x810 ss:$0x81] =	vst.msk $0xffff, v1  }
.LBB1_3:
0x34: {  	v1 =	vld [tilespmem:s18+$0x0];
	p1 =	sne.s32 s17, $0x1FC;
	[tilespmem:s15+$0x0 ss:$0x81] =	vst.msk $0xffff, v0;
	s15 =	smov.u32 s17;
	s17 =	sadd.s32 $0x4, s17  }
.Ltmp3:
0x35: {  	v0 =	vld [tilespmem:s18+$0xFFFFFFF0];
	(pc) =	sbr.rel @p1 .LBB1_3-.Ltmp3, $4  }
0x36: {  	_ = 	snop  }
0x37: {  	s15 =	sshra.s32 s15, $0x2  }
0x38: {  	s15 =	sadd.s32 s15, s16  }
0x39: {  	s18 =	sadd.s32 $0x20, s18;
	[tilespmem:s15+$0x810 ss:$0x81] =	vst.msk $0xffff, v1  }
.Ltmp4:
0x3a: {  	_ = 	snop;
	(pc) =	sbr.rel .LBB1_4-.Ltmp4, $1  }
0x3b: {  	_ =	sdelay $0x3  }
.LBB1_6:
0x3c: {  	_ =	sfence.sel $0x180000  }
0x3d: {  	s2 =	simm.s32 $0x1;
	[bflag:$0x0] =	sbarrier.arrive $0xFFFF  }
0x3e: {  	s31 =	simm.s32 $0x2;
	[sflag:s2] =	ssyncpa.u1 $0x1  }
0x3f: {  	[sflag:s31] =	ssyncpa.u1 $0x1  }
0x40: {  	p0 =	sne.s32 s0, $0x0;
	_ =	strace $0x9000004A  }
0x41: {  	s0 =	sadd.s32 @!p0 $0x100000, s1;
	[bflag:$0x2] =	sbarrier.arrive $0xFFFF  }
0x42: {  	[sflag:s0] =	ssyncadd.tile.s32 @!p0 $0x1;
	_ =	shalt  }
.Lfunc_end1:
_tile_overlayer_lowered:
.L_overlay_start_2:
0x43: {  	(tag) =	ssettag $0x2  }
0x44: {  	s0 =	rddreg [dreg:$0x0];
	s2 =	stileid.u32  }
0x45: {  	s1 =	rddreg [dreg:$0x1];
	p0 =	sne.s32 s2, $0x0  }
0x46: {  	s3 =	rddreg [dreg:$0x2];
	[bflag:$0x3] =	sbarrier.arrive $0xFFFF;
	s2 =	simm.s32 @!p0 $0x1C01  }
0x47: {  	[timem:s3], [sflag:s2] =	dma.local @!p0 [hbm:s0], s1  }
0x48: {  	s0 =	simm.s32 @!p0 $0x1  }
0x49: {  	_ =	swait.ge @!p0 [sflag:s0], s1  }
0x4a: {  	s1 =	ssub.s32 @!p0 $0x0, s1;
	[sflag:s0] =	ssyncset.done @!p0 $0x0  }
0x4b: {  	[sflag:s0] =	ssyncadd.s32 @!p0 s1  }
0x4c: {  	[bflag:$0x3] =	sbarrier.arrive $0xFFFF  }
0x4d: {  	_ =	shalt  }

</sc_bundles>
